<compile_context>
chip_gen: v7x
topology: tpu7x:2x2x1
jax: 0.10.2.dev20260603
libtpu: 0.0.44.dev20260713+nightly
codegen_flags: <defaults>
</compile_context>

<pallas_src>
import jax
import jax.numpy as jnp
from jax import lax
from jax.experimental import pallas as pl
from jax.experimental.pallas import tpu as pltpu
from jax.experimental.pallas import tpu_sc as plsc
import functools

_B, _H, _R, _C, _K, _S = 2, 8, 16, 128, 64, 512
_N = _R * _C
_NT = _B * _H * _N
_NW = 32
_TPW = _NT // _NW


def _vq_body(vecs_ref, csum_ref, ccnt_ref, z_ref, e_ref, gidx_ref, c_ref,
             commit_ref, c_s, c2_s, cn_s, iota_s):
    h = pl.program_id(0)
    b = pl.program_id(1)

    @pl.when((h == 0) & (b == 0))
    def _():
        iota_s[...] = lax.broadcasted_iota(jnp.int32, (_S, _N), 0).astype(
            jnp.float32)

    @pl.when(b == 0)
    def _():
        c0 = csum_ref[0] / jnp.maximum(ccnt_ref[0], 0.01)
        c_s[...] = c0
        c_ref[0] = jnp.concatenate([c0, jnp.zeros((_S, 128 - _K), jnp.float32)], axis=1)
        c2_s[...] = -2.0 * c0
        cn_s[...] = jnp.sum(c0 * c0, axis=1, keepdims=True)

    cn = cn_s[...]
    v = jnp.concatenate([vecs_ref[0, 0, r] for r in range(_R)], axis=1)
    dot2 = lax.dot_general(c2_s[...], v, (((1,), (0,)), ((), ())),
                           preferred_element_type=jnp.float32)
    vnorm = jnp.sum(v * v, axis=0, keepdims=True)
    d2 = (vnorm + dot2) + cn
    mind = jnp.min(d2, axis=0, keepdims=True)
    iota0 = iota_s[...]
    zf = jnp.min(jnp.where(d2 == mind, iota0, jnp.float32(_S)),
                 axis=0, keepdims=True)
    zi = zf.astype(jnp.int32)
    z_ref[0, 0] = zi.reshape(_R, _C)
    gidx_ref[0, 0] = (zi + h * _S).reshape(_R, _C)
    e = jnp.maximum(mind, 0.0)
    e_ref[0, 0] = e.reshape(_R, _C)
    prev = jnp.where((h == 0) & (b == 0), 0.0, commit_ref[0, 0])
    commit_ref[0, 0] = prev + jnp.sum(e)


_sc_mesh = plsc.VectorSubcoreMesh(core_axis_name="c", subcore_axis_name="s")


@functools.partial(
    pl.kernel,
    out_type=jax.ShapeDtypeStruct((_NT, 128), jnp.float32),
    mesh=_sc_mesh,
    scratch_types=[
        pltpu.VMEM((_TPW // 128, 128), jnp.int32),
        pltpu.VMEM((_TPW // 2, 128), jnp.float32),
        pltpu.SemaphoreType.DMA,
    ],
)
def _sc_gather(table_hbm, idx_hbm, out_hbm, idx_v, rows_v, sem):
    wid = lax.axis_index("s") * 2 + lax.axis_index("c")
    base = wid * (_TPW // 128)
    pltpu.sync_copy(idx_hbm.at[pl.ds(base, _TPW // 128)], idx_v)
    for half in range(2):
        copies = []
        for j in range(_TPW // 256):
            copies.append(
                pltpu.async_copy(
                    table_hbm.at[idx_v.at[half * (_TPW // 256) + j]],
                    rows_v.at[pl.ds(j * 128, 128)], sem))
        for cp in copies:
            cp.wait()
        pltpu.sync_copy(
            rows_v,
            out_hbm.at[pl.ds(wid * _TPW + half * (_TPW // 2), _TPW // 2)])


def kernel(vecs, c_sum, c_count):
    vt = jnp.swapaxes(vecs, 3, 4)
    ccnt = c_count.reshape(_H, _S, 1)

    def im_v(h, b):
        return (b, h, 0, 0, 0)

    def im_cb(h, b):
        return (h, 0, 0)

    def im_ze(h, b):
        return (b, h, 0, 0)

    z_out, e_out, gidx, c_tab, commit = pl.pallas_call(
        _vq_body,
        grid=(_H, _B),
        in_specs=[
            pl.BlockSpec((1, 1, _R, _K, _C), im_v),
            pl.BlockSpec((1, _S, _K), im_cb),
            pl.BlockSpec((1, _S, 1), im_cb),
        ],
        out_specs=[
            pl.BlockSpec((1, 1, _R, _C), im_ze),
            pl.BlockSpec((1, 1, _R, _C), im_ze),
            pl.BlockSpec((1, 1, _R, _C), im_ze),
            pl.BlockSpec((1, _S, 128), im_cb),
            pl.BlockSpec((1, 1), lambda h, b: (0, 0), memory_space=pltpu.SMEM),
        ],
        out_shape=[
            jax.ShapeDtypeStruct((_B, _H, _R, _C), jnp.int32),
            jax.ShapeDtypeStruct((_B, _H, _R, _C), jnp.float32),
            jax.ShapeDtypeStruct((_B, _H, _R, _C), jnp.int32),
            jax.ShapeDtypeStruct((_H, _S, 128), jnp.float32),
            jax.ShapeDtypeStruct((1, 1), jnp.float32),
        ],
        scratch_shapes=[
            pltpu.VMEM((_S, _K), jnp.float32),
            pltpu.VMEM((_S, _K), jnp.float32),
            pltpu.VMEM((_S, 1), jnp.float32),
            pltpu.VMEM((_S, _N), jnp.float32),
        ],
    )(vt, c_sum, ccnt)

    table = c_tab.reshape(_H * _S, 128)
    idx2d = gidx.reshape(_NT // 128, 128)
    cz_rows = _sc_gather(table, idx2d)
    vecs_hat = cz_rows[:, :_K].reshape(_B, _H, _R, _C, _K)
    l_commit = commit[0, 0] / jnp.float32(_B * _R * _C)
    l_codebook = jnp.zeros((), jnp.float32)
    return (vecs_hat, z_out, l_commit, l_codebook, e_out)

# --- scband reference (transcript-rebuilt; emitter-appended) ---
"""Pipeline reference for scband-vector-quantizer-35974646071746 (READ-ONLY COPY).

The authoritative reference and input builder live on the scoring server;
editing this copy changes nothing except your own understanding.
"""

import jax, jax.numpy as jnp
import numpy as np

C_GAMMA = 0.99
N_DEVICE = 1.0
N_BLOCK_PER_UPDATE = 16.0  # sequence_len // block_len = 2048 // 128


def _get_codebook(c_sum, c_count):
    c = c_sum / jnp.clip(c_count[..., None], 0.01)
    return jax.lax.stop_gradient(c).astype(jnp.float32)


def get_shortcodes(vecs, codebook):
    # vecs: [B,H,R,C,K], codebook: [H,S,K]
    diffs2 = (
        jnp.sum(jnp.square(vecs), axis=-1)[..., None]
        - 2.0 * jnp.einsum('bhrck,hsk->bhrcs', vecs, codebook)
        + jnp.sum(jnp.square(codebook), axis=-1)[None, :, None, None, :]
    )
    z = jnp.argmin(diffs2, axis=-1)
    errs2 = jax.nn.relu(jnp.min(diffs2, axis=-1))
    return z.astype(jnp.int32), errs2


def get_codewords(shortcodes, codebook):
    sc = jnp.expand_dims(shortcodes, -1)           # [B,H,R,C,1]
    cb = jnp.expand_dims(codebook, (0, 2))         # [1,H,1,S,K]
    cz = jnp.take_along_axis(cb, sc, axis=-2)      # [B,H,R,C,K]
    return cz


def setup_inputs(seed: int = 0) -> dict:
    key = jax.random.key(seed)
    k1, k2 = jax.random.split(key)
    vecs = jax.random.normal(k1, (2, 8, 16, 128, 64), dtype=jnp.float32)
    c_sum = jax.random.normal(k2, (8, 512, 64), dtype=jnp.float32)
    c_count = jnp.ones((8, 512), dtype=jnp.float32)
    return {"vecs": vecs, "c_sum": c_sum, "c_count": c_count}


def reference(vecs, c_sum, c_count):
    sg = jax.lax.stop_gradient
    orig_dtype = vecs.dtype
    vecs_hp = vecs.astype(jnp.float32)
    c = _get_codebook(c_sum, c_count)
    z, errs2 = get_shortcodes(vecs_hp, c)
    errs2 = errs2.astype(jnp.float32)
    cz = get_codewords(z, c).astype(orig_dtype)
    vecs_hat = sg(cz) + (vecs - sg(vecs))
    # is_train = True path
    l_commit = jnp.mean(jnp.sum(errs2, axis=1)).astype(jnp.float32)
    n_code = c_sum.shape[1]
    r = jax.nn.one_hot(z, num_classes=n_code, dtype=vecs_hp.dtype)
    c_sum_hat = N_DEVICE * N_BLOCK_PER_UPDATE * jnp.einsum('bhrcs,bhrck->hsk', r, vecs_hp)
    c_count_hat = N_DEVICE * N_BLOCK_PER_UPDATE * jnp.einsum('bhrcs->hs', r)
    c_sum_tgt = (1.0 - C_GAMMA) * c_sum_hat + C_GAMMA * c_sum
    c_count_tgt = (1.0 - C_GAMMA) * c_count_hat + C_GAMMA * c_count
    l_codebook_sum = jnp.sum(sg(c_sum - c_sum_tgt) * (c_sum - sg(c_sum)))
    l_codebook_count = jnp.sum(sg(c_count - c_count_tgt) * (c_count - sg(c_count)))
    l_codebook = (l_codebook_count + l_codebook_sum).astype(jnp.float32)
    return (vecs_hat, z, l_commit, l_codebook, errs2)

if __name__ == "__main__":
    import jax
    _d = setup_inputs()
    print(jax.jit(kernel)(*tuple(_d.values())))

</pallas_src>

<mosaic_0001>
#map = affine_map<(d0, d1) -> (0, 0)>
module attributes {stable_mosaic.version = 14 : i64} {
  func.func @_sc_gather(%arg0: i32, %arg1: i32, %arg2: memref<4096x128xf32, #tpu.memory_space<hbm>>, %arg3: memref<256x128xi32, #tpu.memory_space<hbm>>, %arg4: memref<32768x128xf32, #tpu.memory_space<hbm>>, %arg5: memref<8x128xi32, #tpu.memory_space<vmem>>, %arg6: memref<512x128xf32, #tpu.memory_space<vmem>>, %arg7: memref<!tpu.dma_semaphore, #tpu.memory_space<semaphore_mem>>) attributes {dimension_semantics = [#tpu.dimension_semantics<core_parallel>, #tpu.dimension_semantics<subcore_parallel>], iteration_bounds = array<i64: 2, 16>, scalar_prefetch = 0 : i64, scratch_operands = 3 : i64, tpu.core_type = #tpu.core_type<sc_vector_subcore>, window_params = [{transform_indices = #map}, {transform_indices = #map}, {transform_indices = #map}]} {
    %mul3A = arith.constant 2 : i32
    %mul3A_0 = arith.muli %arg1, %mul3A : i32
    %add3A = arith.addi %mul3A_0, %arg0 : i32
    %mul3A_1 = arith.constant 8 : i32
    %mul3A_2 = arith.muli %add3A, %mul3A_1 : i32
    "tpu.region"() ({
      %run_scoped3A = tpu.sem_alloc : memref<!tpu.dma_semaphore, #tpu.memory_space<semaphore_mem>>
      %dma_start3A_169 = arith.constant 0 : i32
      %dma_start3A_170 = tpu.memref_slice %arg3[%mul3A_2, %dma_start3A_169] : memref<256x128xi32, #tpu.memory_space<hbm>> -> memref<8x128xi32, #tpu.memory_space<hbm>>
      %dma_start3A_171 = arith.constant 0 : i32
      %dma_start3A_172 = tpu.memref_slice %arg3[%mul3A_2, %dma_start3A_171] : memref<256x128xi32, #tpu.memory_space<hbm>> -> memref<8x128xi32, #tpu.memory_space<hbm>>
      tpu.enqueue_dma source(%dma_start3A_172 : memref<8x128xi32, #tpu.memory_space<hbm>>) target(%arg5 : memref<8x128xi32, #tpu.memory_space<vmem>>) target_semaphore(%run_scoped3A : memref<!tpu.dma_semaphore, #tpu.memory_space<semaphore_mem>>)
      %dma_wait3A_173 = arith.constant 0 : i32
      %dma_wait3A_174 = tpu.memref_slice %arg3[%mul3A_2, %dma_wait3A_173] : memref<256x128xi32, #tpu.memory_space<hbm>> -> memref<8x128xi32, #tpu.memory_space<hbm>>
      %dma_wait3A_175 = arith.constant 0 : i32
      %dma_wait3A_176 = tpu.memref_slice %arg3[%mul3A_2, %dma_wait3A_175] : memref<256x128xi32, #tpu.memory_space<hbm>> -> memref<8x128xi32, #tpu.memory_space<hbm>>
      tpu.wait_dma2 semaphore(%run_scoped3A : memref<!tpu.dma_semaphore, #tpu.memory_space<semaphore_mem>>) src(%dma_wait3A_176 : memref<8x128xi32, #tpu.memory_space<hbm>>) dst(%arg5 : memref<8x128xi32, #tpu.memory_space<vmem>>)
      tpu.yield
    }) : () -> ()
    %dma_start3A = arith.constant 0 : i32
    %dma_start3A_3 = arith.constant 0 : i32
    %dma_start3A_4 = arith.constant 0 : i32
    %dma_start3A_5 = tpu.memref_slice %arg6[%dma_start3A_3, %dma_start3A_4] : memref<512x128xf32, #tpu.memory_space<vmem>> -> memref<128x128xf32, #tpu.memory_space<vmem>>
    %dma_start3A_6 = arith.constant 0 : i32
    %dma_start3A_7 = tpu.memref_slice %arg5[%dma_start3A, %dma_start3A_6] : memref<8x128xi32, #tpu.memory_space<vmem>> -> memref<1x128xi32, #tpu.memory_space<vmem>>
    %dma_start3A_8 = tpu.memref_squeeze %dma_start3A_7 : memref<1x128xi32, #tpu.memory_space<vmem>> -> memref<128xi32, #tpu.memory_space<vmem>>
    %dma_start3A_9 = arith.constant 0 : i32
    %dma_start3A_10 = arith.constant 0 : i32
    %dma_start3A_11 = tpu.memref_slice %arg2[%dma_start3A_9, %dma_start3A_10] : memref<4096x128xf32, #tpu.memory_space<hbm>> -> memref<4096x128xf32, #tpu.memory_space<hbm>>
    tpu.enqueue_indirect_dma source(%dma_start3A_11 : memref<4096x128xf32, #tpu.memory_space<hbm>>) target(%dma_start3A_5 : memref<128x128xf32, #tpu.memory_space<vmem>>) offsets(%dma_start3A_8 : memref<128xi32, #tpu.memory_space<vmem>>) semaphore(%arg7 : memref<!tpu.dma_semaphore, #tpu.memory_space<semaphore_mem>>)
    %dma_start3A_12 = arith.constant 1 : i32
    %dma_start3A_13 = arith.constant 128 : i32
    %dma_start3A_14 = arith.constant 0 : i32
    %dma_start3A_15 = tpu.memref_slice %arg6[%dma_start3A_13, %dma_start3A_14] : memref<512x128xf32, #tpu.memory_space<vmem>> -> memref<128x128xf32, #tpu.memory_space<vmem>>
    %dma_start3A_16 = arith.constant 0 : i32
    %dma_start3A_17 = tpu.memref_slice %arg5[%dma_start3A_12, %dma_start3A_16] : memref<8x128xi32, #tpu.memory_space<vmem>> -> memref<1x128xi32, #tpu.memory_space<vmem>>
    %dma_start3A_18 = tpu.memref_squeeze %dma_start3A_17 : memref<1x128xi32, #tpu.memory_space<vmem>> -> memref<128xi32, #tpu.memory_space<vmem>>
    %dma_start3A_19 = arith.constant 0 : i32
    %dma_start3A_20 = arith.constant 0 : i32
    %dma_start3A_21 = tpu.memref_slice %arg2[%dma_start3A_19, %dma_start3A_20] : memref<4096x128xf32, #tpu.memory_space<hbm>> -> memref<4096x128xf32, #tpu.memory_space<hbm>>
    tpu.enqueue_indirect_dma source(%dma_start3A_21 : memref<4096x128xf32, #tpu.memory_space<hbm>>) target(%dma_start3A_15 : memref<128x128xf32, #tpu.memory_space<vmem>>) offsets(%dma_start3A_18 : memref<128xi32, #tpu.memory_space<vmem>>) semaphore(%arg7 : memref<!tpu.dma_semaphore, #tpu.memory_space<semaphore_mem>>)
    %dma_start3A_22 = arith.constant 2 : i32
    %dma_start3A_23 = arith.constant 256 : i32
    %dma_start3A_24 = arith.constant 0 : i32
    %dma_start3A_25 = tpu.memref_slice %arg6[%dma_start3A_23, %dma_start3A_24] : memref<512x128xf32, #tpu.memory_space<vmem>> -> memref<128x128xf32, #tpu.memory_space<vmem>>
    %dma_start3A_26 = arith.constant 0 : i32
    %dma_start3A_27 = tpu.memref_slice %arg5[%dma_start3A_22, %dma_start3A_26] : memref<8x128xi32, #tpu.memory_space<vmem>> -> memref<1x128xi32, #tpu.memory_space<vmem>>
    %dma_start3A_28 = tpu.memref_squeeze %dma_start3A_27 : memref<1x128xi32, #tpu.memory_space<vmem>> -> memref<128xi32, #tpu.memory_space<vmem>>
    %dma_start3A_29 = arith.constant 0 : i32
    %dma_start3A_30 = arith.constant 0 : i32
    %dma_start3A_31 = tpu.memref_slice %arg2[%dma_start3A_29, %dma_start3A_30] : memref<4096x128xf32, #tpu.memory_space<hbm>> -> memref<4096x128xf32, #tpu.memory_space<hbm>>
    tpu.enqueue_indirect_dma source(%dma_start3A_31 : memref<4096x128xf32, #tpu.memory_space<hbm>>) target(%dma_start3A_25 : memref<128x128xf32, #tpu.memory_space<vmem>>) offsets(%dma_start3A_28 : memref<128xi32, #tpu.memory_space<vmem>>) semaphore(%arg7 : memref<!tpu.dma_semaphore, #tpu.memory_space<semaphore_mem>>)
    %dma_start3A_32 = arith.constant 3 : i32
    %dma_start3A_33 = arith.constant 384 : i32
    %dma_start3A_34 = arith.constant 0 : i32
    %dma_start3A_35 = tpu.memref_slice %arg6[%dma_start3A_33, %dma_start3A_34] : memref<512x128xf32, #tpu.memory_space<vmem>> -> memref<128x128xf32, #tpu.memory_space<vmem>>
    %dma_start3A_36 = arith.constant 0 : i32
    %dma_start3A_37 = tpu.memref_slice %arg5[%dma_start3A_32, %dma_start3A_36] : memref<8x128xi32, #tpu.memory_space<vmem>> -> memref<1x128xi32, #tpu.memory_space<vmem>>
    %dma_start3A_38 = tpu.memref_squeeze %dma_start3A_37 : memref<1x128xi32, #tpu.memory_space<vmem>> -> memref<128xi32, #tpu.memory_space<vmem>>
    %dma_start3A_39 = arith.constant 0 : i32
    %dma_start3A_40 = arith.constant 0 : i32
    %dma_start3A_41 = tpu.memref_slice %arg2[%dma_start3A_39, %dma_start3A_40] : memref<4096x128xf32, #tpu.memory_space<hbm>> -> memref<4096x128xf32, #tpu.memory_space<hbm>>
    tpu.enqueue_indirect_dma source(%dma_start3A_41 : memref<4096x128xf32, #tpu.memory_space<hbm>>) target(%dma_start3A_35 : memref<128x128xf32, #tpu.memory_space<vmem>>) offsets(%dma_start3A_38 : memref<128xi32, #tpu.memory_space<vmem>>) semaphore(%arg7 : memref<!tpu.dma_semaphore, #tpu.memory_space<semaphore_mem>>)
    %dma_wait3A = arith.constant 0 : i32
    %dma_wait3A_42 = arith.constant 0 : i32
    %dma_wait3A_43 = arith.constant 0 : i32
    %dma_wait3A_44 = tpu.memref_slice %arg6[%dma_wait3A_42, %dma_wait3A_43] : memref<512x128xf32, #tpu.memory_space<vmem>> -> memref<128x128xf32, #tpu.memory_space<vmem>>
    %dma_wait3A_45 = arith.constant 0 : i32
    %dma_wait3A_46 = tpu.memref_slice %arg5[%dma_wait3A, %dma_wait3A_45] : memref<8x128xi32, #tpu.memory_space<vmem>> -> memref<1x128xi32, #tpu.memory_space<vmem>>
    %dma_wait3A_47 = tpu.memref_squeeze %dma_wait3A_46 : memref<1x128xi32, #tpu.memory_space<vmem>> -> memref<128xi32, #tpu.memory_space<vmem>>
    %dma_wait3A_48 = arith.constant 0 : i32
    %dma_wait3A_49 = arith.constant 0 : i32
    %dma_wait3A_50 = tpu.memref_slice %arg2[%dma_wait3A_48, %dma_wait3A_49] : memref<4096x128xf32, #tpu.memory_space<hbm>> -> memref<4096x128xf32, #tpu.memory_space<hbm>>
    tpu.wait_indirect_dma semaphore(%arg7 : memref<!tpu.dma_semaphore, #tpu.memory_space<semaphore_mem>>) src(%dma_wait3A_50 : memref<4096x128xf32, #tpu.memory_space<hbm>>) dst(%dma_wait3A_44 : memref<128x128xf32, #tpu.memory_space<vmem>>)
    %dma_wait3A_51 = arith.constant 1 : i32
    %dma_wait3A_52 = arith.constant 128 : i32
    %dma_wait3A_53 = arith.constant 0 : i32
    %dma_wait3A_54 = tpu.memref_slice %arg6[%dma_wait3A_52, %dma_wait3A_53] : memref<512x128xf32, #tpu.memory_space<vmem>> -> memref<128x128xf32, #tpu.memory_space<vmem>>
    %dma_wait3A_55 = arith.constant 0 : i32
    %dma_wait3A_56 = tpu.memref_slice %arg5[%dma_wait3A_51, %dma_wait3A_55] : memref<8x128xi32, #tpu.memory_space<vmem>> -> memref<1x128xi32, #tpu.memory_space<vmem>>
    %dma_wait3A_57 = tpu.memref_squeeze %dma_wait3A_56 : memref<1x128xi32, #tpu.memory_space<vmem>> -> memref<128xi32, #tpu.memory_space<vmem>>
    %dma_wait3A_58 = arith.constant 0 : i32
    %dma_wait3A_59 = arith.constant 0 : i32
    %dma_wait3A_60 = tpu.memref_slice %arg2[%dma_wait3A_58, %dma_wait3A_59] : memref<4096x128xf32, #tpu.memory_space<hbm>> -> memref<4096x128xf32, #tpu.memory_space<hbm>>
    tpu.wait_indirect_dma semaphore(%arg7 : memref<!tpu.dma_semaphore, #tpu.memory_space<semaphore_mem>>) src(%dma_wait3A_60 : memref<4096x128xf32, #tpu.memory_space<hbm>>) dst(%dma_wait3A_54 : memref<128x128xf32, #tpu.memory_space<vmem>>)
    %dma_wait3A_61 = arith.constant 2 : i32
    %dma_wait3A_62 = arith.constant 256 : i32
    %dma_wait3A_63 = arith.constant 0 : i32
    %dma_wait3A_64 = tpu.memref_slice %arg6[%dma_wait3A_62, %dma_wait3A_63] : memref<512x128xf32, #tpu.memory_space<vmem>> -> memref<128x128xf32, #tpu.memory_space<vmem>>
    %dma_wait3A_65 = arith.constant 0 : i32
    %dma_wait3A_66 = tpu.memref_slice %arg5[%dma_wait3A_61, %dma_wait3A_65] : memref<8x128xi32, #tpu.memory_space<vmem>> -> memref<1x128xi32, #tpu.memory_space<vmem>>
    %dma_wait3A_67 = tpu.memref_squeeze %dma_wait3A_66 : memref<1x128xi32, #tpu.memory_space<vmem>> -> memref<128xi32, #tpu.memory_space<vmem>>
    %dma_wait3A_68 = arith.constant 0 : i32
    %dma_wait3A_69 = arith.constant 0 : i32
    %dma_wait3A_70 = tpu.memref_slice %arg2[%dma_wait3A_68, %dma_wait3A_69] : memref<4096x128xf32, #tpu.memory_space<hbm>> -> memref<4096x128xf32, #tpu.memory_space<hbm>>
    tpu.wait_indirect_dma semaphore(%arg7 : memref<!tpu.dma_semaphore, #tpu.memory_space<semaphore_mem>>) src(%dma_wait3A_70 : memref<4096x128xf32, #tpu.memory_space<hbm>>) dst(%dma_wait3A_64 : memref<128x128xf32, #tpu.memory_space<vmem>>)
    %dma_wait3A_71 = arith.constant 3 : i32
    %dma_wait3A_72 = arith.constant 384 : i32
    %dma_wait3A_73 = arith.constant 0 : i32
    %dma_wait3A_74 = tpu.memref_slice %arg6[%dma_wait3A_72, %dma_wait3A_73] : memref<512x128xf32, #tpu.memory_space<vmem>> -> memref<128x128xf32, #tpu.memory_space<vmem>>
    %dma_wait3A_75 = arith.constant 0 : i32
    %dma_wait3A_76 = tpu.memref_slice %arg5[%dma_wait3A_71, %dma_wait3A_75] : memref<8x128xi32, #tpu.memory_space<vmem>> -> memref<1x128xi32, #tpu.memory_space<vmem>>
    %dma_wait3A_77 = tpu.memref_squeeze %dma_wait3A_76 : memref<1x128xi32, #tpu.memory_space<vmem>> -> memref<128xi32, #tpu.memory_space<vmem>>
    %dma_wait3A_78 = arith.constant 0 : i32
    %dma_wait3A_79 = arith.constant 0 : i32
    %dma_wait3A_80 = tpu.memref_slice %arg2[%dma_wait3A_78, %dma_wait3A_79] : memref<4096x128xf32, #tpu.memory_space<hbm>> -> memref<4096x128xf32, #tpu.memory_space<hbm>>
    tpu.wait_indirect_dma semaphore(%arg7 : memref<!tpu.dma_semaphore, #tpu.memory_space<semaphore_mem>>) src(%dma_wait3A_80 : memref<4096x128xf32, #tpu.memory_space<hbm>>) dst(%dma_wait3A_74 : memref<128x128xf32, #tpu.memory_space<vmem>>)
    %mul3A_81 = arith.constant 1024 : i32
    %mul3A_82 = arith.muli %add3A, %mul3A_81 : i32
    %add3A_83 = arith.constant 0 : i32
    %add3A_84 = arith.addi %mul3A_82, %add3A_83 : i32
    "tpu.region"() ({
      %run_scoped3A = tpu.sem_alloc : memref<!tpu.dma_semaphore, #tpu.memory_space<semaphore_mem>>
      %dma_start3A_169 = arith.constant 0 : i32
      %dma_start3A_170 = tpu.memref_slice %arg4[%add3A_84, %dma_start3A_169] : memref<32768x128xf32, #tpu.memory_space<hbm>> -> memref<512x128xf32, #tpu.memory_space<hbm>>
      %dma_start3A_171 = arith.constant 0 : i32
      %dma_start3A_172 = tpu.memref_slice %arg4[%add3A_84, %dma_start3A_171] : memref<32768x128xf32, #tpu.memory_space<hbm>> -> memref<512x128xf32, #tpu.memory_space<hbm>>
      tpu.enqueue_dma source(%arg6 : memref<512x128xf32, #tpu.memory_space<vmem>>) target(%dma_start3A_172 : memref<512x128xf32, #tpu.memory_space<hbm>>) target_semaphore(%run_scoped3A : memref<!tpu.dma_semaphore, #tpu.memory_space<semaphore_mem>>)
      %dma_wait3A_173 = arith.constant 0 : i32
      %dma_wait3A_174 = tpu.memref_slice %arg4[%add3A_84, %dma_wait3A_173] : memref<32768x128xf32, #tpu.memory_space<hbm>> -> memref<512x128xf32, #tpu.memory_space<hbm>>
      %dma_wait3A_175 = arith.constant 0 : i32
      %dma_wait3A_176 = tpu.memref_slice %arg4[%add3A_84, %dma_wait3A_175] : memref<32768x128xf32, #tpu.memory_space<hbm>> -> memref<512x128xf32, #tpu.memory_space<hbm>>
      tpu.wait_dma2 semaphore(%run_scoped3A : memref<!tpu.dma_semaphore, #tpu.memory_space<semaphore_mem>>) src(%arg6 : memref<512x128xf32, #tpu.memory_space<vmem>>) dst(%dma_wait3A_176 : memref<512x128xf32, #tpu.memory_space<hbm>>)
      tpu.yield
    }) : () -> ()
    %dma_start3A_85 = arith.constant 4 : i32
    %dma_start3A_86 = arith.constant 0 : i32
    %dma_start3A_87 = arith.constant 0 : i32
    %dma_start3A_88 = tpu.memref_slice %arg6[%dma_start3A_86, %dma_start3A_87] : memref<512x128xf32, #tpu.memory_space<vmem>> -> memref<128x128xf32, #tpu.memory_space<vmem>>
    %dma_start3A_89 = arith.constant 0 : i32
    %dma_start3A_90 = tpu.memref_slice %arg5[%dma_start3A_85, %dma_start3A_89] : memref<8x128xi32, #tpu.memory_space<vmem>> -> memref<1x128xi32, #tpu.memory_space<vmem>>
    %dma_start3A_91 = tpu.memref_squeeze %dma_start3A_90 : memref<1x128xi32, #tpu.memory_space<vmem>> -> memref<128xi32, #tpu.memory_space<vmem>>
    %dma_start3A_92 = arith.constant 0 : i32
    %dma_start3A_93 = arith.constant 0 : i32
    %dma_start3A_94 = tpu.memref_slice %arg2[%dma_start3A_92, %dma_start3A_93] : memref<4096x128xf32, #tpu.memory_space<hbm>> -> memref<4096x128xf32, #tpu.memory_space<hbm>>
    tpu.enqueue_indirect_dma source(%dma_start3A_94 : memref<4096x128xf32, #tpu.memory_space<hbm>>) target(%dma_start3A_88 : memref<128x128xf32, #tpu.memory_space<vmem>>) offsets(%dma_start3A_91 : memref<128xi32, #tpu.memory_space<vmem>>) semaphore(%arg7 : memref<!tpu.dma_semaphore, #tpu.memory_space<semaphore_mem>>)
    %dma_start3A_95 = arith.constant 5 : i32
    %dma_start3A_96 = arith.constant 128 : i32
    %dma_start3A_97 = arith.constant 0 : i32
    %dma_start3A_98 = tpu.memref_slice %arg6[%dma_start3A_96, %dma_start3A_97] : memref<512x128xf32, #tpu.memory_space<vmem>> -> memref<128x128xf32, #tpu.memory_space<vmem>>
    %dma_start3A_99 = arith.constant 0 : i32
    %dma_start3A_100 = tpu.memref_slice %arg5[%dma_start3A_95, %dma_start3A_99] : memref<8x128xi32, #tpu.memory_space<vmem>> -> memref<1x128xi32, #tpu.memory_space<vmem>>
    %dma_start3A_101 = tpu.memref_squeeze %dma_start3A_100 : memref<1x128xi32, #tpu.memory_space<vmem>> -> memref<128xi32, #tpu.memory_space<vmem>>
    %dma_start3A_102 = arith.constant 0 : i32
    %dma_start3A_103 = arith.constant 0 : i32
    %dma_start3A_104 = tpu.memref_slice %arg2[%dma_start3A_102, %dma_start3A_103] : memref<4096x128xf32, #tpu.memory_space<hbm>> -> memref<4096x128xf32, #tpu.memory_space<hbm>>
    tpu.enqueue_indirect_dma source(%dma_start3A_104 : memref<4096x128xf32, #tpu.memory_space<hbm>>) target(%dma_start3A_98 : memref<128x128xf32, #tpu.memory_space<vmem>>) offsets(%dma_start3A_101 : memref<128xi32, #tpu.memory_space<vmem>>) semaphore(%arg7 : memref<!tpu.dma_semaphore, #tpu.memory_space<semaphore_mem>>)
    %dma_start3A_105 = arith.constant 6 : i32
    %dma_start3A_106 = arith.constant 256 : i32
    %dma_start3A_107 = arith.constant 0 : i32
    %dma_start3A_108 = tpu.memref_slice %arg6[%dma_start3A_106, %dma_start3A_107] : memref<512x128xf32, #tpu.memory_space<vmem>> -> memref<128x128xf32, #tpu.memory_space<vmem>>
    %dma_start3A_109 = arith.constant 0 : i32
    %dma_start3A_110 = tpu.memref_slice %arg5[%dma_start3A_105, %dma_start3A_109] : memref<8x128xi32, #tpu.memory_space<vmem>> -> memref<1x128xi32, #tpu.memory_space<vmem>>
    %dma_start3A_111 = tpu.memref_squeeze %dma_start3A_110 : memref<1x128xi32, #tpu.memory_space<vmem>> -> memref<128xi32, #tpu.memory_space<vmem>>
    %dma_start3A_112 = arith.constant 0 : i32
    %dma_start3A_113 = arith.constant 0 : i32
    %dma_start3A_114 = tpu.memref_slice %arg2[%dma_start3A_112, %dma_start3A_113] : memref<4096x128xf32, #tpu.memory_space<hbm>> -> memref<4096x128xf32, #tpu.memory_space<hbm>>
    tpu.enqueue_indirect_dma source(%dma_start3A_114 : memref<4096x128xf32, #tpu.memory_space<hbm>>) target(%dma_start3A_108 : memref<128x128xf32, #tpu.memory_space<vmem>>) offsets(%dma_start3A_111 : memref<128xi32, #tpu.memory_space<vmem>>) semaphore(%arg7 : memref<!tpu.dma_semaphore, #tpu.memory_space<semaphore_mem>>)
    %dma_start3A_115 = arith.constant 7 : i32
    %dma_start3A_116 = arith.constant 384 : i32
    %dma_start3A_117 = arith.constant 0 : i32
    %dma_start3A_118 = tpu.memref_slice %arg6[%dma_start3A_116, %dma_start3A_117] : memref<512x128xf32, #tpu.memory_space<vmem>> -> memref<128x128xf32, #tpu.memory_space<vmem>>
    %dma_start3A_119 = arith.constant 0 : i32
    %dma_start3A_120 = tpu.memref_slice %arg5[%dma_start3A_115, %dma_start3A_119] : memref<8x128xi32, #tpu.memory_space<vmem>> -> memref<1x128xi32, #tpu.memory_space<vmem>>
    %dma_start3A_121 = tpu.memref_squeeze %dma_start3A_120 : memref<1x128xi32, #tpu.memory_space<vmem>> -> memref<128xi32, #tpu.memory_space<vmem>>
    %dma_start3A_122 = arith.constant 0 : i32
    %dma_start3A_123 = arith.constant 0 : i32
    %dma_start3A_124 = tpu.memref_slice %arg2[%dma_start3A_122, %dma_start3A_123] : memref<4096x128xf32, #tpu.memory_space<hbm>> -> memref<4096x128xf32, #tpu.memory_space<hbm>>
    tpu.enqueue_indirect_dma source(%dma_start3A_124 : memref<4096x128xf32, #tpu.memory_space<hbm>>) target(%dma_start3A_118 : memref<128x128xf32, #tpu.memory_space<vmem>>) offsets(%dma_start3A_121 : memref<128xi32, #tpu.memory_space<vmem>>) semaphore(%arg7 : memref<!tpu.dma_semaphore, #tpu.memory_space<semaphore_mem>>)
    %dma_wait3A_125 = arith.constant 4 : i32
    %dma_wait3A_126 = arith.constant 0 : i32
    %dma_wait3A_127 = arith.constant 0 : i32
    %dma_wait3A_128 = tpu.memref_slice %arg6[%dma_wait3A_126, %dma_wait3A_127] : memref<512x128xf32, #tpu.memory_space<vmem>> -> memref<128x128xf32, #tpu.memory_space<vmem>>
    %dma_wait3A_129 = arith.constant 0 : i32
    %dma_wait3A_130 = tpu.memref_slice %arg5[%dma_wait3A_125, %dma_wait3A_129] : memref<8x128xi32, #tpu.memory_space<vmem>> -> memref<1x128xi32, #tpu.memory_space<vmem>>
    %dma_wait3A_131 = tpu.memref_squeeze %dma_wait3A_130 : memref<1x128xi32, #tpu.memory_space<vmem>> -> memref<128xi32, #tpu.memory_space<vmem>>
    %dma_wait3A_132 = arith.constant 0 : i32
    %dma_wait3A_133 = arith.constant 0 : i32
    %dma_wait3A_134 = tpu.memref_slice %arg2[%dma_wait3A_132, %dma_wait3A_133] : memref<4096x128xf32, #tpu.memory_space<hbm>> -> memref<4096x128xf32, #tpu.memory_space<hbm>>
    tpu.wait_indirect_dma semaphore(%arg7 : memref<!tpu.dma_semaphore, #tpu.memory_space<semaphore_mem>>) src(%dma_wait3A_134 : memref<4096x128xf32, #tpu.memory_space<hbm>>) dst(%dma_wait3A_128 : memref<128x128xf32, #tpu.memory_space<vmem>>)
    %dma_wait3A_135 = arith.constant 5 : i32
    %dma_wait3A_136 = arith.constant 128 : i32
    %dma_wait3A_137 = arith.constant 0 : i32
    %dma_wait3A_138 = tpu.memref_slice %arg6[%dma_wait3A_136, %dma_wait3A_137] : memref<512x128xf32, #tpu.memory_space<vmem>> -> memref<128x128xf32, #tpu.memory_space<vmem>>
    %dma_wait3A_139 = arith.constant 0 : i32
    %dma_wait3A_140 = tpu.memref_slice %arg5[%dma_wait3A_135, %dma_wait3A_139] : memref<8x128xi32, #tpu.memory_space<vmem>> -> memref<1x128xi32, #tpu.memory_space<vmem>>
    %dma_wait3A_141 = tpu.memref_squeeze %dma_wait3A_140 : memref<1x128xi32, #tpu.memory_space<vmem>> -> memref<128xi32, #tpu.memory_space<vmem>>
    %dma_wait3A_142 = arith.constant 0 : i32
    %dma_wait3A_143 = arith.constant 0 : i32
    %dma_wait3A_144 = tpu.memref_slice %arg2[%dma_wait3A_142, %dma_wait3A_143] : memref<4096x128xf32, #tpu.memory_space<hbm>> -> memref<4096x128xf32, #tpu.memory_space<hbm>>
    tpu.wait_indirect_dma semaphore(%arg7 : memref<!tpu.dma_semaphore, #tpu.memory_space<semaphore_mem>>) src(%dma_wait3A_144 : memref<4096x128xf32, #tpu.memory_space<hbm>>) dst(%dma_wait3A_138 : memref<128x128xf32, #tpu.memory_space<vmem>>)
    %dma_wait3A_145 = arith.constant 6 : i32
    %dma_wait3A_146 = arith.constant 256 : i32
    %dma_wait3A_147 = arith.constant 0 : i32
    %dma_wait3A_148 = tpu.memref_slice %arg6[%dma_wait3A_146, %dma_wait3A_147] : memref<512x128xf32, #tpu.memory_space<vmem>> -> memref<128x128xf32, #tpu.memory_space<vmem>>
    %dma_wait3A_149 = arith.constant 0 : i32
    %dma_wait3A_150 = tpu.memref_slice %arg5[%dma_wait3A_145, %dma_wait3A_149] : memref<8x128xi32, #tpu.memory_space<vmem>> -> memref<1x128xi32, #tpu.memory_space<vmem>>
    %dma_wait3A_151 = tpu.memref_squeeze %dma_wait3A_150 : memref<1x128xi32, #tpu.memory_space<vmem>> -> memref<128xi32, #tpu.memory_space<vmem>>
    %dma_wait3A_152 = arith.constant 0 : i32
    %dma_wait3A_153 = arith.constant 0 : i32
    %dma_wait3A_154 = tpu.memref_slice %arg2[%dma_wait3A_152, %dma_wait3A_153] : memref<4096x128xf32, #tpu.memory_space<hbm>> -> memref<4096x128xf32, #tpu.memory_space<hbm>>
    tpu.wait_indirect_dma semaphore(%arg7 : memref<!tpu.dma_semaphore, #tpu.memory_space<semaphore_mem>>) src(%dma_wait3A_154 : memref<4096x128xf32, #tpu.memory_space<hbm>>) dst(%dma_wait3A_148 : memref<128x128xf32, #tpu.memory_space<vmem>>)
    %dma_wait3A_155 = arith.constant 7 : i32
    %dma_wait3A_156 = arith.constant 384 : i32
    %dma_wait3A_157 = arith.constant 0 : i32
    %dma_wait3A_158 = tpu.memref_slice %arg6[%dma_wait3A_156, %dma_wait3A_157] : memref<512x128xf32, #tpu.memory_space<vmem>> -> memref<128x128xf32, #tpu.memory_space<vmem>>
    %dma_wait3A_159 = arith.constant 0 : i32
    %dma_wait3A_160 = tpu.memref_slice %arg5[%dma_wait3A_155, %dma_wait3A_159] : memref<8x128xi32, #tpu.memory_space<vmem>> -> memref<1x128xi32, #tpu.memory_space<vmem>>
    %dma_wait3A_161 = tpu.memref_squeeze %dma_wait3A_160 : memref<1x128xi32, #tpu.memory_space<vmem>> -> memref<128xi32, #tpu.memory_space<vmem>>
    %dma_wait3A_162 = arith.constant 0 : i32
    %dma_wait3A_163 = arith.constant 0 : i32
    %dma_wait3A_164 = tpu.memref_slice %arg2[%dma_wait3A_162, %dma_wait3A_163] : memref<4096x128xf32, #tpu.memory_space<hbm>> -> memref<4096x128xf32, #tpu.memory_space<hbm>>
    tpu.wait_indirect_dma semaphore(%arg7 : memref<!tpu.dma_semaphore, #tpu.memory_space<semaphore_mem>>) src(%dma_wait3A_164 : memref<4096x128xf32, #tpu.memory_space<hbm>>) dst(%dma_wait3A_158 : memref<128x128xf32, #tpu.memory_space<vmem>>)
    %mul3A_165 = arith.constant 1024 : i32
    %mul3A_166 = arith.muli %add3A, %mul3A_165 : i32
    %add3A_167 = arith.constant 512 : i32
    %add3A_168 = arith.addi %mul3A_166, %add3A_167 : i32
    "tpu.region"() ({
      %run_scoped3A = tpu.sem_alloc : memref<!tpu.dma_semaphore, #tpu.memory_space<semaphore_mem>>
      %dma_start3A_169 = arith.constant 0 : i32
      %dma_start3A_170 = tpu.memref_slice %arg4[%add3A_168, %dma_start3A_169] : memref<32768x128xf32, #tpu.memory_space<hbm>> -> memref<512x128xf32, #tpu.memory_space<hbm>>
      %dma_start3A_171 = arith.constant 0 : i32
      %dma_start3A_172 = tpu.memref_slice %arg4[%add3A_168, %dma_start3A_171] : memref<32768x128xf32, #tpu.memory_space<hbm>> -> memref<512x128xf32, #tpu.memory_space<hbm>>
      tpu.enqueue_dma source(%arg6 : memref<512x128xf32, #tpu.memory_space<vmem>>) target(%dma_start3A_172 : memref<512x128xf32, #tpu.memory_space<hbm>>) target_semaphore(%run_scoped3A : memref<!tpu.dma_semaphore, #tpu.memory_space<semaphore_mem>>)
      %dma_wait3A_173 = arith.constant 0 : i32
      %dma_wait3A_174 = tpu.memref_slice %arg4[%add3A_168, %dma_wait3A_173] : memref<32768x128xf32, #tpu.memory_space<hbm>> -> memref<512x128xf32, #tpu.memory_space<hbm>>
      %dma_wait3A_175 = arith.constant 0 : i32
      %dma_wait3A_176 = tpu.memref_slice %arg4[%add3A_168, %dma_wait3A_175] : memref<32768x128xf32, #tpu.memory_space<hbm>> -> memref<512x128xf32, #tpu.memory_space<hbm>>
      tpu.wait_dma2 semaphore(%run_scoped3A : memref<!tpu.dma_semaphore, #tpu.memory_space<semaphore_mem>>) src(%arg6 : memref<512x128xf32, #tpu.memory_space<vmem>>) dst(%dma_wait3A_176 : memref<512x128xf32, #tpu.memory_space<hbm>>)
      tpu.yield
    }) : () -> ()
    return
  }
}

module attributes {stable_mosaic.version = 14 : i64} {
  func.func @_vq_body(%arg0: i32, %arg1: i32, %arg2: memref<1x1x16x64x128xf32, #tpu.memory_space<vmem>>, %arg3: memref<1x512x64xf32, #tpu.memory_space<vmem>>, %arg4: memref<1x512x1xf32, #tpu.memory_space<vmem>>, %arg5: memref<1x1x16x128xi32, #tpu.memory_space<vmem>>, %arg6: memref<1x1x16x128xf32, #tpu.memory_space<vmem>>, %arg7: memref<1x1x16x128xi32, #tpu.memory_space<vmem>>, %arg8: memref<1x512x128xf32, #tpu.memory_space<vmem>>, %arg9: memref<1x1xf32, #tpu.memory_space<smem>>, %arg10: memref<512x64xf32, #tpu.memory_space<vmem>>, %arg11: memref<512x64xf32, #tpu.memory_space<vmem>>, %arg12: memref<512x1xf32, #tpu.memory_space<vmem>>, %arg13: memref<512x2048xf32, #tpu.memory_space<vmem>>) attributes {dimension_semantics = [#tpu.dimension_semantics<arbitrary>, #tpu.dimension_semantics<arbitrary>], iteration_bounds = array<i64: 8, 2>, scalar_prefetch = 0 : i64, scratch_operands = 4 : i64, tpu.core_type = #tpu.core_type<tc>, window_params = [{transform_indices = @transform_0, window_bounds = array<i64: 1, 1, 16, 64, 128>}, {transform_indices = @transform_1, window_bounds = array<i64: 1, 512, 64>}, {transform_indices = @transform_2, window_bounds = array<i64: 1, 512, 1>}, {transform_indices = @transform_3, window_bounds = array<i64: 1, 1, 16, 128>}, {transform_indices = @transform_4, window_bounds = array<i64: 1, 1, 16, 128>}, {transform_indices = @transform_5, window_bounds = array<i64: 1, 1, 16, 128>}, {transform_indices = @transform_6, window_bounds = array<i64: 1, 512, 128>}, {transform_indices = @transform_7, window_bounds = array<i64: 1, 1>}]} {
    %eq3A = arith.constant 0 : i32
    %eq3A_0 = arith.cmpi eq, %arg0, %eq3A : i32
    %eq3A_1 = arith.constant 0 : i32
    %eq3A_2 = arith.cmpi eq, %arg1, %eq3A_1 : i32
    %and3A = arith.andi %eq3A_0, %eq3A_2 : i1
    %convert_element_type3A = arith.extui %and3A : i1 to i32
    %cond3A = arith.constant 0 : i32
    %cond3A_3 = arith.cmpi ne, %convert_element_type3A, %cond3A : i32
    scf.if %cond3A_3 {
      %iota3A = tpu.iota {dimensions = array<i32: 0>} : vector<512x2048xi32>
      %convert_element_type3A_190 = arith.sitofp %iota3A : vector<512x2048xi32> to vector<512x2048xf32>
      %swap3A_191 = arith.constant 0 : index
      %swap3A_192 = arith.constant 0 : index
      %swap3A_193 = vector.load %arg13[%swap3A_191, %swap3A_192] : memref<512x2048xf32, #tpu.memory_space<vmem>>, vector<512x2048xf32>
      tpu.vector_store %arg13[%swap3A_191, %swap3A_192], %convert_element_type3A_190 {strides = array<i32>} : memref<512x2048xf32, #tpu.memory_space<vmem>>, vector<512x2048xf32>,
    } else {
    }
    %eq3A_4 = arith.constant 0 : i32
    %eq3A_5 = arith.cmpi eq, %arg1, %eq3A_4 : i32
    %convert_element_type3A_6 = arith.extui %eq3A_5 : i1 to i32
    %cond3A_7 = arith.constant 0 : i32
    %cond3A_8 = arith.cmpi ne, %convert_element_type3A_6, %cond3A_7 : i32
    scf.if %cond3A_8 {
      %get3A_190 = arith.constant 0 : index
      %get3A_191 = arith.constant 0 : index
      %get3A_192 = arith.constant 0 : index
      %get3A_193 = vector.load %arg3[%get3A_190, %get3A_191, %get3A_192] : memref<1x512x64xf32, #tpu.memory_space<vmem>>, vector<1x512x64xf32>
      %get3A_194 = vector.shape_cast %get3A_193 : vector<1x512x64xf32> to vector<512x64xf32>
      %get3A_195 = arith.constant 0 : index
      %get3A_196 = arith.constant 0 : index
      %get3A_197 = arith.constant 0 : index
      %get3A_198 = vector.load %arg4[%get3A_195, %get3A_196, %get3A_197] : memref<1x512x1xf32, #tpu.memory_space<vmem>>, vector<1x512x1xf32>
      %get3A_199 = vector.shape_cast %get3A_198 : vector<1x512x1xf32> to vector<512x1xf32>
      %max3A_200 = arith.constant 0.00999999977 : f32
      %max3A_201 = vector.broadcast %max3A_200 : f32 to vector<512x1xf32>
      %max3A_202 = arith.maximumf %get3A_199, %max3A_201 : vector<512x1xf32>
      %div3A = vector.broadcast %max3A_202 : vector<512x1xf32> to vector<512x64xf32>
      %div3A_203 = arith.divf %get3A_194, %div3A : vector<512x64xf32>
      %swap3A_204 = arith.constant 0 : index
      %swap3A_205 = arith.constant 0 : index
      %swap3A_206 = vector.load %arg10[%swap3A_204, %swap3A_205] : memref<512x64xf32, #tpu.memory_space<vmem>>, vector<512x64xf32>
      tpu.vector_store %arg10[%swap3A_204, %swap3A_205], %div3A_203 {strides = array<i32>} : memref<512x64xf32, #tpu.memory_space<vmem>>, vector<512x64xf32>,
      %broadcast_in_dim3A_207 = arith.constant 0.000000e+00 : f32
      %broadcast_in_dim3A_208 = vector.broadcast %broadcast_in_dim3A_207 : f32 to vector<512x64xf32>
      %concatenate3A_209 = tpu.concatenate %div3A_203, %broadcast_in_dim3A_208 in 1 : vector<512x64xf32>, vector<512x64xf32> -> vector<512x128xf32>
      %swap3A_210 = arith.constant 0 : index
      %swap3A_211 = arith.constant 0 : index
      %swap3A_212 = arith.constant 0 : index
      %swap3A_213 = vector.load %arg8[%swap3A_210, %swap3A_211, %swap3A_212] : memref<1x512x128xf32, #tpu.memory_space<vmem>>, vector<1x512x128xf32>
      %swap3A_214 = vector.shape_cast %swap3A_213 : vector<1x512x128xf32> to vector<512x128xf32>
      %swap3A_215 = vector.shape_cast %concatenate3A_209 : vector<512x128xf32> to vector<1x512x128xf32>
      tpu.vector_store %arg8[%swap3A_210, %swap3A_211, %swap3A_212], %swap3A_215 {strides = array<i32>} : memref<1x512x128xf32, #tpu.memory_space<vmem>>, vector<1x512x128xf32>,
      %mul3A_216 = arith.constant -2.000000e+00 : f32
      %mul3A_217 = vector.broadcast %mul3A_216 : f32 to vector<512x64xf32>
      %mul3A_218 = arith.mulf %mul3A_217, %div3A_203 : vector<512x64xf32>
      %swap3A_219 = arith.constant 0 : index
      %swap3A_220 = arith.constant 0 : index
      %swap3A_221 = vector.load %arg11[%swap3A_219, %swap3A_220] : memref<512x64xf32, #tpu.memory_space<vmem>>, vector<512x64xf32>
      tpu.vector_store %arg11[%swap3A_219, %swap3A_220], %mul3A_218 {strides = array<i32>} : memref<512x64xf32, #tpu.memory_space<vmem>>, vector<512x64xf32>,
      %mul3A_222 = arith.mulf %div3A_203, %div3A_203 : vector<512x64xf32>
      %reduce_sum3A_223 = arith.constant dense<0.000000e+00> : vector<512xf32>
      %reduce_sum3A_224 = vector.multi_reduction <add>, %mul3A_222, %reduce_sum3A_223 [1] : vector<512x64xf32> to vector<512xf32>
      %broadcast_in_dim3A_225 = vector.shape_cast %reduce_sum3A_224 : vector<512xf32> to vector<512x1xf32>
      %swap3A_226 = arith.constant 0 : index
      %swap3A_227 = arith.constant 0 : index
      %swap3A_228 = vector.load %arg12[%swap3A_226, %swap3A_227] : memref<512x1xf32, #tpu.memory_space<vmem>>, vector<512x1xf32>
      tpu.vector_store %arg12[%swap3A_226, %swap3A_227], %broadcast_in_dim3A_225 {strides = array<i32>} : memref<512x1xf32, #tpu.memory_space<vmem>>, vector<512x1xf32>,
    } else {
    }
    %get3A = arith.constant 0 : index
    %get3A_9 = arith.constant 0 : index
    %get3A_10 = vector.load %arg12[%get3A, %get3A_9] : memref<512x1xf32, #tpu.memory_space<vmem>>, vector<512x1xf32>
    %get3A_11 = arith.constant 0 : index
    %get3A_12 = arith.constant 0 : index
    %get3A_13 = arith.constant 0 : index
    %get3A_14 = arith.constant 0 : index
    %get3A_15 = arith.constant 0 : index
    %get3A_16 = vector.load %arg2[%get3A_11, %get3A_12, %get3A_13, %get3A_14, %get3A_15] : memref<1x1x16x64x128xf32, #tpu.memory_space<vmem>>, vector<1x1x1x64x128xf32>
    %get3A_17 = vector.shape_cast %get3A_16 : vector<1x1x1x64x128xf32> to vector<64x128xf32>
    %get3A_18 = arith.constant 0 : index
    %get3A_19 = arith.constant 0 : index
    %get3A_20 = arith.constant 1 : index
    %get3A_21 = arith.constant 0 : index
    %get3A_22 = arith.constant 0 : index
    %get3A_23 = vector.load %arg2[%get3A_18, %get3A_19, %get3A_20, %get3A_21, %get3A_22] : memref<1x1x16x64x128xf32, #tpu.memory_space<vmem>>, vector<1x1x1x64x128xf32>
    %get3A_24 = vector.shape_cast %get3A_23 : vector<1x1x1x64x128xf32> to vector<64x128xf32>
    %get3A_25 = arith.constant 0 : index
    %get3A_26 = arith.constant 0 : index
    %get3A_27 = arith.constant 2 : index
    %get3A_28 = arith.constant 0 : index
    %get3A_29 = arith.constant 0 : index
    %get3A_30 = vector.load %arg2[%get3A_25, %get3A_26, %get3A_27, %get3A_28, %get3A_29] : memref<1x1x16x64x128xf32, #tpu.memory_space<vmem>>, vector<1x1x1x64x128xf32>
    %get3A_31 = vector.shape_cast %get3A_30 : vector<1x1x1x64x128xf32> to vector<64x128xf32>
    %get3A_32 = arith.constant 0 : index
    %get3A_33 = arith.constant 0 : index
    %get3A_34 = arith.constant 3 : index
    %get3A_35 = arith.constant 0 : index
    %get3A_36 = arith.constant 0 : index
    %get3A_37 = vector.load %arg2[%get3A_32, %get3A_33, %get3A_34, %get3A_35, %get3A_36] : memref<1x1x16x64x128xf32, #tpu.memory_space<vmem>>, vector<1x1x1x64x128xf32>
    %get3A_38 = vector.shape_cast %get3A_37 : vector<1x1x1x64x128xf32> to vector<64x128xf32>
    %get3A_39 = arith.constant 0 : index
    %get3A_40 = arith.constant 0 : index
    %get3A_41 = arith.constant 4 : index
    %get3A_42 = arith.constant 0 : index
    %get3A_43 = arith.constant 0 : index
    %get3A_44 = vector.load %arg2[%get3A_39, %get3A_40, %get3A_41, %get3A_42, %get3A_43] : memref<1x1x16x64x128xf32, #tpu.memory_space<vmem>>, vector<1x1x1x64x128xf32>
    %get3A_45 = vector.shape_cast %get3A_44 : vector<1x1x1x64x128xf32> to vector<64x128xf32>
    %get3A_46 = arith.constant 0 : index
    %get3A_47 = arith.constant 0 : index
    %get3A_48 = arith.constant 5 : index
    %get3A_49 = arith.constant 0 : index
    %get3A_50 = arith.constant 0 : index
    %get3A_51 = vector.load %arg2[%get3A_46, %get3A_47, %get3A_48, %get3A_49, %get3A_50] : memref<1x1x16x64x128xf32, #tpu.memory_space<vmem>>, vector<1x1x1x64x128xf32>
    %get3A_52 = vector.shape_cast %get3A_51 : vector<1x1x1x64x128xf32> to vector<64x128xf32>
    %get3A_53 = arith.constant 0 : index
    %get3A_54 = arith.constant 0 : index
    %get3A_55 = arith.constant 6 : index
    %get3A_56 = arith.constant 0 : index
    %get3A_57 = arith.constant 0 : index
    %get3A_58 = vector.load %arg2[%get3A_53, %get3A_54, %get3A_55, %get3A_56, %get3A_57] : memref<1x1x16x64x128xf32, #tpu.memory_space<vmem>>, vector<1x1x1x64x128xf32>
    %get3A_59 = vector.shape_cast %get3A_58 : vector<1x1x1x64x128xf32> to vector<64x128xf32>
    %get3A_60 = arith.constant 0 : index
    %get3A_61 = arith.constant 0 : index
    %get3A_62 = arith.constant 7 : index
    %get3A_63 = arith.constant 0 : index
    %get3A_64 = arith.constant 0 : index
    %get3A_65 = vector.load %arg2[%get3A_60, %get3A_61, %get3A_62, %get3A_63, %get3A_64] : memref<1x1x16x64x128xf32, #tpu.memory_space<vmem>>, vector<1x1x1x64x128xf32>
    %get3A_66 = vector.shape_cast %get3A_65 : vector<1x1x1x64x128xf32> to vector<64x128xf32>
    %get3A_67 = arith.constant 0 : index
    %get3A_68 = arith.constant 0 : index
    %get3A_69 = arith.constant 8 : index
    %get3A_70 = arith.constant 0 : index
    %get3A_71 = arith.constant 0 : index
    %get3A_72 = vector.load %arg2[%get3A_67, %get3A_68, %get3A_69, %get3A_70, %get3A_71] : memref<1x1x16x64x128xf32, #tpu.memory_space<vmem>>, vector<1x1x1x64x128xf32>
    %get3A_73 = vector.shape_cast %get3A_72 : vector<1x1x1x64x128xf32> to vector<64x128xf32>
    %get3A_74 = arith.constant 0 : index
    %get3A_75 = arith.constant 0 : index
    %get3A_76 = arith.constant 9 : index
    %get3A_77 = arith.constant 0 : index
    %get3A_78 = arith.constant 0 : index
    %get3A_79 = vector.load %arg2[%get3A_74, %get3A_75, %get3A_76, %get3A_77, %get3A_78] : memref<1x1x16x64x128xf32, #tpu.memory_space<vmem>>, vector<1x1x1x64x128xf32>
    %get3A_80 = vector.shape_cast %get3A_79 : vector<1x1x1x64x128xf32> to vector<64x128xf32>
    %get3A_81 = arith.constant 0 : index
    %get3A_82 = arith.constant 0 : index
    %get3A_83 = arith.constant 10 : index
    %get3A_84 = arith.constant 0 : index
    %get3A_85 = arith.constant 0 : index
    %get3A_86 = vector.load %arg2[%get3A_81, %get3A_82, %get3A_83, %get3A_84, %get3A_85] : memref<1x1x16x64x128xf32, #tpu.memory_space<vmem>>, vector<1x1x1x64x128xf32>
    %get3A_87 = vector.shape_cast %get3A_86 : vector<1x1x1x64x128xf32> to vector<64x128xf32>
    %get3A_88 = arith.constant 0 : index
    %get3A_89 = arith.constant 0 : index
    %get3A_90 = arith.constant 11 : index
    %get3A_91 = arith.constant 0 : index
    %get3A_92 = arith.constant 0 : index
    %get3A_93 = vector.load %arg2[%get3A_88, %get3A_89, %get3A_90, %get3A_91, %get3A_92] : memref<1x1x16x64x128xf32, #tpu.memory_space<vmem>>, vector<1x1x1x64x128xf32>
    %get3A_94 = vector.shape_cast %get3A_93 : vector<1x1x1x64x128xf32> to vector<64x128xf32>
    %get3A_95 = arith.constant 0 : index
    %get3A_96 = arith.constant 0 : index
    %get3A_97 = arith.constant 12 : index
    %get3A_98 = arith.constant 0 : index
    %get3A_99 = arith.constant 0 : index
    %get3A_100 = vector.load %arg2[%get3A_95, %get3A_96, %get3A_97, %get3A_98, %get3A_99] : memref<1x1x16x64x128xf32, #tpu.memory_space<vmem>>, vector<1x1x1x64x128xf32>
    %get3A_101 = vector.shape_cast %get3A_100 : vector<1x1x1x64x128xf32> to vector<64x128xf32>
    %get3A_102 = arith.constant 0 : index
    %get3A_103 = arith.constant 0 : index
    %get3A_104 = arith.constant 13 : index
    %get3A_105 = arith.constant 0 : index
    %get3A_106 = arith.constant 0 : index
    %get3A_107 = vector.load %arg2[%get3A_102, %get3A_103, %get3A_104, %get3A_105, %get3A_106] : memref<1x1x16x64x128xf32, #tpu.memory_space<vmem>>, vector<1x1x1x64x128xf32>
    %get3A_108 = vector.shape_cast %get3A_107 : vector<1x1x1x64x128xf32> to vector<64x128xf32>
    %get3A_109 = arith.constant 0 : index
    %get3A_110 = arith.constant 0 : index
    %get3A_111 = arith.constant 14 : index
    %get3A_112 = arith.constant 0 : index
    %get3A_113 = arith.constant 0 : index
    %get3A_114 = vector.load %arg2[%get3A_109, %get3A_110, %get3A_111, %get3A_112, %get3A_113] : memref<1x1x16x64x128xf32, #tpu.memory_space<vmem>>, vector<1x1x1x64x128xf32>
    %get3A_115 = vector.shape_cast %get3A_114 : vector<1x1x1x64x128xf32> to vector<64x128xf32>
    %get3A_116 = arith.constant 0 : index
    %get3A_117 = arith.constant 0 : index
    %get3A_118 = arith.constant 15 : index
    %get3A_119 = arith.constant 0 : index
    %get3A_120 = arith.constant 0 : index
    %get3A_121 = vector.load %arg2[%get3A_116, %get3A_117, %get3A_118, %get3A_119, %get3A_120] : memref<1x1x16x64x128xf32, #tpu.memory_space<vmem>>, vector<1x1x1x64x128xf32>
    %get3A_122 = vector.shape_cast %get3A_121 : vector<1x1x1x64x128xf32> to vector<64x128xf32>
    %concatenate3A = tpu.concatenate %get3A_17, %get3A_24, %get3A_31, %get3A_38, %get3A_45, %get3A_52, %get3A_59, %get3A_66, %get3A_73, %get3A_80, %get3A_87, %get3A_94, %get3A_101, %get3A_108, %get3A_115, %get3A_122 in 1 : vector<64x128xf32>, vector<64x128xf32>, vector<64x128xf32>, vector<64x128xf32>, vector<64x128xf32>, vector<64x128xf32>, vector<64x128xf32>, vector<64x128xf32>, vector<64x128xf32>, vector<64x128xf32>, vector<64x128xf32>, vector<64x128xf32>, vector<64x128xf32>, vector<64x128xf32>, vector<64x128xf32>, vector<64x128xf32> -> vector<64x2048xf32>
    %get3A_123 = arith.constant 0 : index
    %get3A_124 = arith.constant 0 : index
    %get3A_125 = vector.load %arg11[%get3A_123, %get3A_124] : memref<512x64xf32, #tpu.memory_space<vmem>>, vector<512x64xf32>
    %dot_general3A = arith.constant dense<0.000000e+00> : vector<512x2048xf32>
    %dot_general3A_126 = tpu.matmul %get3A_125, %concatenate3A, %dot_general3A {dimension_numbers = #tpu.dot_dimension_numbers<[1], [0], [0], [1], [0, 0, 1, 1], [], []>, transpose_lhs_hint = false} : vector<512x64xf32>, vector<64x2048xf32>, vector<512x2048xf32> -> vector<512x2048xf32>
    %mul3A = arith.mulf %concatenate3A, %concatenate3A : vector<64x2048xf32>
    %reduce_sum3A = arith.constant dense<0.000000e+00> : vector<2048xf32>
    %reduce_sum3A_127 = vector.multi_reduction <add>, %mul3A, %reduce_sum3A [0] : vector<64x2048xf32> to vector<2048xf32>
    %broadcast_in_dim3A = vector.shape_cast %reduce_sum3A_127 : vector<2048xf32> to vector<1x2048xf32>
    %add3A = vector.broadcast %broadcast_in_dim3A : vector<1x2048xf32> to vector<512x2048xf32>
    %add3A_128 = arith.addf %add3A, %dot_general3A_126 : vector<512x2048xf32>
    %add3A_129 = vector.broadcast %get3A_10 : vector<512x1xf32> to vector<512x2048xf32>
    %add3A_130 = arith.addf %add3A_128, %add3A_129 : vector<512x2048xf32>
    %reduce_min3A = arith.constant dense<0x7F800000> : vector<2048xf32>
    %reduce_min3A_131 = vector.multi_reduction <minimumf>, %add3A_130, %reduce_min3A [0] : vector<512x2048xf32> to vector<2048xf32>
    %broadcast_in_dim3A_132 = vector.shape_cast %reduce_min3A_131 : vector<2048xf32> to vector<1x2048xf32>
    %get3A_133 = arith.constant 0 : index
    %get3A_134 = arith.constant 0 : index
    %get3A_135 = vector.load %arg13[%get3A_133, %get3A_134] : memref<512x2048xf32, #tpu.memory_space<vmem>>, vector<512x2048xf32>
    %eq3A_136 = vector.broadcast %broadcast_in_dim3A_132 : vector<1x2048xf32> to vector<512x2048xf32>
    %eq3A_137 = arith.cmpf oeq, %add3A_130, %eq3A_136 : vector<512x2048xf32>
    %jit3A = arith.constant 5.120000e+02 : f32
    %broadcast_in_dim3A_138 = vector.broadcast %jit3A : f32 to vector<512x2048xf32>
    %select_n3A = arith.select %eq3A_137, %get3A_135, %broadcast_in_dim3A_138 : vector<512x2048xi1>, vector<512x2048xf32>
    %reduce_min3A_139 = arith.constant dense<0x7F800000> : vector<2048xf32>
    %reduce_min3A_140 = vector.multi_reduction <minimumf>, %select_n3A, %reduce_min3A_139 [0] : vector<512x2048xf32> to vector<2048xf32>
    %broadcast_in_dim3A_141 = vector.shape_cast %reduce_min3A_140 : vector<2048xf32> to vector<1x2048xf32>
    %convert_element_type3A_142 = arith.fptosi %broadcast_in_dim3A_141 : vector<1x2048xf32> to vector<1x2048xi32>
    %reshape3A = vector.shape_cast %convert_element_type3A_142 : vector<1x2048xi32> to vector<16x128xi32>
    %swap3A = arith.constant 0 : index
    %swap3A_143 = arith.constant 0 : index
    %swap3A_144 = arith.constant 0 : index
    %swap3A_145 = arith.constant 0 : index
    %swap3A_146 = vector.load %arg5[%swap3A, %swap3A_143, %swap3A_144, %swap3A_145] : memref<1x1x16x128xi32, #tpu.memory_space<vmem>>, vector<1x1x16x128xi32>
    %swap3A_147 = vector.shape_cast %swap3A_146 : vector<1x1x16x128xi32> to vector<16x128xi32>
    %swap3A_148 = vector.shape_cast %reshape3A : vector<16x128xi32> to vector<1x1x16x128xi32>
    tpu.vector_store %arg5[%swap3A, %swap3A_143, %swap3A_144, %swap3A_145], %swap3A_148 {strides = array<i32>} : memref<1x1x16x128xi32, #tpu.memory_space<vmem>>, vector<1x1x16x128xi32>,
    %mul3A_149 = arith.constant 512 : i32
    %mul3A_150 = arith.muli %arg0, %mul3A_149 : i32
    %add3A_151 = vector.broadcast %mul3A_150 : i32 to vector<1x2048xi32>
    %add3A_152 = arith.addi %convert_element_type3A_142, %add3A_151 : vector<1x2048xi32>
    %reshape3A_153 = vector.shape_cast %add3A_152 : vector<1x2048xi32> to vector<16x128xi32>
    %swap3A_154 = arith.constant 0 : index
    %swap3A_155 = arith.constant 0 : index
    %swap3A_156 = arith.constant 0 : index
    %swap3A_157 = arith.constant 0 : index
    %swap3A_158 = vector.load %arg7[%swap3A_154, %swap3A_155, %swap3A_156, %swap3A_157] : memref<1x1x16x128xi32, #tpu.memory_space<vmem>>, vector<1x1x16x128xi32>
    %swap3A_159 = vector.shape_cast %swap3A_158 : vector<1x1x16x128xi32> to vector<16x128xi32>
    %swap3A_160 = vector.shape_cast %reshape3A_153 : vector<16x128xi32> to vector<1x1x16x128xi32>
    tpu.vector_store %arg7[%swap3A_154, %swap3A_155, %swap3A_156, %swap3A_157], %swap3A_160 {strides = array<i32>} : memref<1x1x16x128xi32, #tpu.memory_space<vmem>>, vector<1x1x16x128xi32>,
    %max3A = arith.constant 0.000000e+00 : f32
    %max3A_161 = vector.broadcast %max3A : f32 to vector<1x2048xf32>
    %max3A_162 = arith.maximumf %broadcast_in_dim3A_132, %max3A_161 : vector<1x2048xf32>
    %reshape3A_163 = vector.shape_cast %max3A_162 : vector<1x2048xf32> to vector<16x128xf32>
    %swap3A_164 = arith.constant 0 : index
    %swap3A_165 = arith.constant 0 : index
    %swap3A_166 = arith.constant 0 : index
    %swap3A_167 = arith.constant 0 : index
    %swap3A_168 = vector.load %arg6[%swap3A_164, %swap3A_165, %swap3A_166, %swap3A_167] : memref<1x1x16x128xf32, #tpu.memory_space<vmem>>, vector<1x1x16x128xf32>
    %swap3A_169 = vector.shape_cast %swap3A_168 : vector<1x1x16x128xf32> to vector<16x128xf32>
    %swap3A_170 = vector.shape_cast %reshape3A_163 : vector<16x128xf32> to vector<1x1x16x128xf32>
    tpu.vector_store %arg6[%swap3A_164, %swap3A_165, %swap3A_166, %swap3A_167], %swap3A_170 {strides = array<i32>} : memref<1x1x16x128xf32, #tpu.memory_space<vmem>>, vector<1x1x16x128xf32>,
    %eq3A_171 = arith.constant 0 : i32
    %eq3A_172 = arith.cmpi eq, %arg0, %eq3A_171 : i32
    %eq3A_173 = arith.constant 0 : i32
    %eq3A_174 = arith.cmpi eq, %arg1, %eq3A_173 : i32
    %and3A_175 = arith.andi %eq3A_172, %eq3A_174 : i1
    %get3A_176 = arith.constant 0 : index
    %get3A_177 = arith.constant 0 : index
    %get3A_178 = memref.load %arg9[%get3A_176, %get3A_177] : memref<1x1xf32, #tpu.memory_space<smem>>
    %jit3A_179 = arith.constant 0.000000e+00 : f32
    %select_n3A_180 = arith.select %and3A_175, %jit3A_179, %get3A_178 : f32
    %reduce_sum3A_181 = vector.shape_cast %max3A_162 : vector<1x2048xf32> to vector<1x1x2048xf32>
    %reduce_sum3A_182 = arith.constant dense<0.000000e+00> : vector<1xf32>
    %reduce_sum3A_183 = vector.multi_reduction <add>, %reduce_sum3A_181, %reduce_sum3A_182 [1, 2] : vector<1x1x2048xf32> to vector<1xf32>
    %reduce_sum3A_184 = vector.shape_cast %reduce_sum3A_183 : vector<1xf32> to vector<1x1x1xf32>
    %reduce_sum3A_185 = vector.extract %reduce_sum3A_184[0, 0, 0] : f32 from vector<1x1x1xf32>
    %add3A_186 = arith.addf %select_n3A_180, %reduce_sum3A_185 : f32
    %swap3A_187 = arith.constant 0 : index
    %swap3A_188 = arith.constant 0 : index
    %swap3A_189 = memref.load %arg9[%swap3A_187, %swap3A_188] : memref<1x1xf32, #tpu.memory_space<smem>>
    memref.store %add3A_186, %arg9[%swap3A_187, %swap3A_188] : memref<1x1xf32, #tpu.memory_space<smem>>
    return
  }
  func.func @transform_0(%arg0: i32, %arg1: i32) -> (i32, i32, i32, i32, i32) {
    %c0_i32 = arith.constant 0 : i32
    %c0_i32_0 = arith.constant 0 : i32
    %c0_i32_1 = arith.constant 0 : i32
    %c0_i32_2 = arith.constant 0 : i32
    return %arg1, %arg0, %c0_i32, %c0_i32_0, %c0_i32_1 : i32, i32, i32, i32, i32
  }
  func.func @transform_1(%arg0: i32, %arg1: i32) -> (i32, i32, i32) {
    %c0_i32 = arith.constant 0 : i32
    %c0_i32_0 = arith.constant 0 : i32
    %c0_i32_1 = arith.constant 0 : i32
    return %arg0, %c0_i32, %c0_i32_0 : i32, i32, i32
  }
  func.func @transform_2(%arg0: i32, %arg1: i32) -> (i32, i32, i32) {
    %c0_i32 = arith.constant 0 : i32
    %c0_i32_0 = arith.constant 0 : i32
    %c0_i32_1 = arith.constant 0 : i32
    return %arg0, %c0_i32, %c0_i32_0 : i32, i32, i32
  }
  func.func @transform_3(%arg0: i32, %arg1: i32) -> (i32, i32, i32, i32) {
    %c0_i32 = arith.constant 0 : i32
    %c0_i32_0 = arith.constant 0 : i32
    %c0_i32_1 = arith.constant 0 : i32
    return %arg1, %arg0, %c0_i32, %c0_i32_0 : i32, i32, i32, i32
  }
  func.func @transform_4(%arg0: i32, %arg1: i32) -> (i32, i32, i32, i32) {
    %c0_i32 = arith.constant 0 : i32
    %c0_i32_0 = arith.constant 0 : i32
    %c0_i32_1 = arith.constant 0 : i32
    return %arg1, %arg0, %c0_i32, %c0_i32_0 : i32, i32, i32, i32
  }
  func.func @transform_5(%arg0: i32, %arg1: i32) -> (i32, i32, i32, i32) {
    %c0_i32 = arith.constant 0 : i32
    %c0_i32_0 = arith.constant 0 : i32
    %c0_i32_1 = arith.constant 0 : i32
    return %arg1, %arg0, %c0_i32, %c0_i32_0 : i32, i32, i32, i32
  }
  func.func @transform_6(%arg0: i32, %arg1: i32) -> (i32, i32, i32) {
    %c0_i32 = arith.constant 0 : i32
    %c0_i32_0 = arith.constant 0 : i32
    %c0_i32_1 = arith.constant 0 : i32
    return %arg0, %c0_i32, %c0_i32_0 : i32, i32, i32
  }
  func.func @transform_7(%arg0: i32, %arg1: i32) -> (i32, i32) {
    %c0_i32 = arith.constant 0 : i32
    %c0_i32_0 = arith.constant 0 : i32
    %c0_i32_1 = arith.constant 0 : i32
    return %c0_i32, %c0_i32_0 : i32, i32
  }
}

</mosaic_0001>

<sc_bundles>
// kernel: kernel.4.cloned.1.call-start
scs
__scs_entry_jumppad:
0x0: {  	(pc) =	sbr.rel $0x88, $3  }
0x1: {  	(tag) =	ssettag $0x0;
	lr =	simm.s32 $0x1  }
0x2: {  	[smem:$0x3F9E] =	sst lr;
	_ =	strace $0xD0000000  }
0x3: {  	_ = 	snop  }
0x4: {  	_ = 	snop  }
0x5: {  	_ = 	snop  }
0x6: {  	_ = 	snop  }
0x7: {  	_ = 	snop  }
__scs_overlays_trampoline_lowered:
0x8: {  	[smem:$0x3FAD] =	sst s0  }
0x9: {  	[smem:$0x3FAE] =	sst s1  }
0xa: {  	[smem:$0x3FAF] =	sst s2  }
0xb: {  	[smem:$0x3FB0] =	sst s3  }
0xc: {  	[smem:$0x3FB1] =	sst s4  }
0xd: {  	[smem:$0x3FB2] =	sst s5  }
0xe: {  	[smem:$0x3FB3] =	sst s6  }
0xf: {  	[smem:$0x3FB4] =	sst s7  }
0x10: {  	[smem:$0x3FB5] =	sst s8  }
0x11: {  	[smem:$0x3FB6] =	sst s9;
	s0 =	simm.s32 @!p0 $0x0  }
0x12: {  	s1 =	sld [smem:$0x3F9C];
	s0 =	simm.s32 @p0 $0x1  }
0x13: {  	[smem:$0x3FB7] =	sst s0;
	s0 =	simm.s32 @!p1 $0x0  }
0x14: {  	s2 =	sld [smem:$0x3F9B];
	s0 =	simm.s32 @p1 $0x1  }
0x15: {  	[smem:$0x3FB8] =	sst s0;
	s0 =	simm.s32 @!p2 $0x0  }
0x16: {  	s3 =	sld [smem:$0x3FDB];
	s0 =	simm.s32 @p2 $0x1  }
0x17: {  	s4 =	simm.s32 $0x1BF5;
	[smem:$0x3FBA] =	sst s0  }
0x18: {  	s0 =	sld [smem:$0x3F9D];
	_ =	swait.ge [sflag:s4], $0x0  }
0x19: {  	s7 =	sld [smem:$0x3F9E]  }
0x1a: {  	s8 =	sadd.s32 $0xFFFFE003, lr  }
0x1b: {  	s9 =	sadd.s32 $0xFFFFFEF7, lr;
	s5 =	simm.s32 $0xFFFFFFFF;
	p2 =	slt.u32 s8, $0xFFFFF086  }
0x1c: {  	p1 =	slt.u32 s9, $0xF7A;
	s5 =	simm.s32 @!p2 $0x0  }
0x1d: {  	s5 =	simm.s32 @p1 $0x1;
	p0 =	seq.s32 s7, s2  }
0x1e: {  	s7 =	smul.u32 @!p0 $0xF7A, s2;
	p2 =	seq.s32 @!p0 s5, $0x0  }
0x1f: {  	s9 =	smul.u32 $0xF7A, s1;
	s8 =	simm.s32 @!p0 $0x1BF5;
	p2 =	por !p2, p0  }
0x20: {  	[sflag:s8] =	ssyncset.s32 @!p0 $0xFFFFF086;
	s6 =	sadd.s32 @!p0 s3, s7;
	s7 =	simm.s32 @!p0 $0x108  }
0x21: {  	s3 =	sadd.s32 s3, s9;
	s6 =	sadd.s32 @!p0 $0x88, s6;
	s7 =	simm.s32 @p2 $0x1082  }
0x22: {  	[simem:s7], [sflag:s8] =	dma.local @!p0 [hbm:s6], $0xF7A  }
0x23: {  	s9 =	sor.u32 $0xD0000000, s2;
	s6 =	simm.s32 $0x108;
	_ =	swait.ge @!p0 [sflag:s8], $0x0  }
0x24: {  	s3 =	sadd.s32 $0x88, s3;
	s6 =	simm.s32 @!p1 $0x1082;
	[sflag:s4] =	ssyncset.s32 $0xFFFFF086  }
0x25: {  	[simem:s6], [sflag:s4] =	dma.local [hbm:s3], $0xF7A  }
0x26: {  	[smem:$0x3F9E] =	sst s1;
	(tag) =	ssettag s2;
	_ =	strace s9  }
0x27: {  	s1 =	sld [smem:$0x3FAE]  }
0x28: {  	s2 =	sld [smem:$0x3FAF]  }
0x29: {  	s4 =	sld [smem:$0x3FB1]  }
0x2a: {  	p0 =	seq.s32 s5, $0x0;
	s5 =	sld [smem:$0x3FB2]  }
0x2b: {  	s6 =	sld [smem:$0x3FB3]  }
0x2c: {  	s7 =	sld [smem:$0x3FB4]  }
0x2d: {  	s3 =	simm.s32 $0x108;
	s8 =	sld [smem:$0x3FB5]  }
0x2e: {  	s3 =	simm.s32 @!p0 $0x1082;
	s9 =	sld [smem:$0x3FB6]  }
0x2f: {  	lr =	sadd.s32 s0, s3;
	s0 =	sld [smem:$0x3FAD]  }
0x30: {  	s3 =	sld [smem:$0x3FB0]  }
0x31: {  	[smem:$0x3FB9] =	sst s10  }
0x32: {  	s10 =	sld [smem:$0x3FB7];
	_ =	sdelay $0x3  }
0x33: {  	p0 =	seq.s32 s10, $0x1;
	s10 =	sld [smem:$0x3FB9];
	_ =	sdelay $0x3  }
0x34: {  	[smem:$0x3FB9] =	sst s10  }
0x35: {  	s10 =	sld [smem:$0x3FB8];
	_ =	sdelay $0x3  }
0x36: {  	p1 =	seq.s32 s10, $0x1;
	s10 =	sld [smem:$0x3FB9];
	_ =	sdelay $0x3  }
0x37: {  	[smem:$0x3FB9] =	sst s10  }
0x38: {  	s10 =	sld [smem:$0x3FBA]  }
0x39: {  	_ = 	snop;
	(pc) =	sbr.ind lr, $3  }
0x3a: {  	_ = 	snop  }
0x3b: {  	_ = 	snop  }
0x3c: {  	p2 =	seq.s32 s10, $0x1;
	s10 =	sld [smem:$0x3FB9]  }
0x3d: {  	_ =	shalt  }
0x3e: {  	_ =	shalt  }
0x3f: {  	_ =	shalt  }
0x40: {  	_ =	shalt  }
0x41: {  	_ =	shalt  }
0x42: {  	_ =	shalt  }
0x43: {  	_ =	shalt  }
0x44: {  	_ =	shalt  }
0x45: {  	_ =	shalt  }
0x46: {  	_ =	shalt  }
0x47: {  	_ =	shalt  }
0x48: {  	_ =	shalt  }
0x49: {  	_ =	shalt  }
0x4a: {  	_ =	shalt  }
0x4b: {  	_ =	shalt  }
0x4c: {  	_ =	shalt  }
0x4d: {  	_ =	shalt  }
0x4e: {  	_ =	shalt  }
0x4f: {  	_ =	shalt  }
0x50: {  	_ =	shalt  }
0x51: {  	_ =	shalt  }
0x52: {  	_ =	shalt  }
0x53: {  	_ =	shalt  }
0x54: {  	_ =	shalt  }
0x55: {  	_ =	shalt  }
0x56: {  	_ =	shalt  }
0x57: {  	_ =	shalt  }
0x58: {  	_ =	shalt  }
0x59: {  	_ =	shalt  }
0x5a: {  	_ =	shalt  }
0x5b: {  	_ =	shalt  }
0x5c: {  	_ =	shalt  }
0x5d: {  	_ =	shalt  }
0x5e: {  	_ =	shalt  }
0x5f: {  	_ =	shalt  }
0x60: {  	_ =	shalt  }
0x61: {  	_ =	shalt  }
0x62: {  	_ =	shalt  }
0x63: {  	_ =	shalt  }
0x64: {  	_ =	shalt  }
0x65: {  	_ =	shalt  }
0x66: {  	_ =	shalt  }
0x67: {  	_ =	shalt  }
0x68: {  	_ =	shalt  }
0x69: {  	_ =	shalt  }
0x6a: {  	_ =	shalt  }
0x6b: {  	_ =	shalt  }
0x6c: {  	_ =	shalt  }
0x6d: {  	_ =	shalt  }
0x6e: {  	_ =	shalt  }
0x6f: {  	_ =	shalt  }
0x70: {  	_ =	shalt  }
0x71: {  	_ =	shalt  }
0x72: {  	_ =	shalt  }
0x73: {  	_ =	shalt  }
0x74: {  	_ =	shalt  }
0x75: {  	_ =	shalt  }
0x76: {  	_ =	shalt  }
0x77: {  	_ =	shalt  }
0x78: {  	_ =	shalt  }
0x79: {  	_ =	shalt  }
0x7a: {  	_ =	shalt  }
0x7b: {  	_ =	shalt  }
0x7c: {  	_ =	shalt  }
0x7d: {  	_ =	shalt  }
0x7e: {  	_ =	shalt  }
0x7f: {  	_ =	shalt  }
0x80: {  	_ =	shalt  }
0x81: {  	_ =	shalt  }
0x82: {  	_ =	shalt  }
0x83: {  	_ =	shalt  }
0x84: {  	_ =	shalt  }
0x85: {  	_ =	shalt  }
0x86: {  	_ =	shalt  }
0x87: {  	_ =	shalt  }
.Lfunc_end0:
.L_simem_size_0:
called_computation_lowered:
.L_overlay_start_0:
0x88: {  	s2 =	sld [smem:$0x3FD9]  }
0x89: {  	s3 =	sld [smem:$0x3FFE];
	_ =	sdelay $0x1  }
0x8a: {  	s1 =	srdreg.scid  }
0x8b: {  	s0 =	sand.u32 $0x1, s1  }
0x8c: {  	s14 =	sshll.u32 s0, $0xA;
	s2 =	sadd.s32 s3, s2  }
0x8d: {  	s2 =	sadd.s32 s2, s14  }
0x8e: {  	[smem:$0x3FC5] =	sst s2  }
0x8f: {  	_ = 	snop  }
0x90: {  	s2 =	sld [smem:$0x3FD0];
	_ =	sdelay $0x2  }
0x91: {  	s15 =	simm.s32 $0xA;
	s4 =	simm.s32 $0x10  }
0x92: {  	[smem:s4], [sflag:s15] =	dma.local [hbm:s2], $0x1  }
0x93: {  	_ =	swait.eq [sflag:s15], $0x1  }
0x94: {  	[sflag:s15] =	ssyncset.done $0x0  }
0x95: {  	[sflag:s15] =	ssyncadd.s32 $0xFFFFFFFF  }
0x96: {  	s16 =	sld [smem:$0x10];
	(tm) =	ssettm $0x1  }
0x97: {  	s17 =	sld [smem:$0x3FFB];
	_ =	sdelay $0x3  }
0x98: {  	_ =	strace s17  }
0x99: {  	s3 =	sld [smem:$0x3FFC];
	_ =	sdelay $0x3  }
0x9a: {  	_ =	strace s3  }
0x9b: {  	s3 =	sld [smem:$0x3FFD];
	_ =	sdelay $0x3  }
0x9c: {  	_ =	strace s3  }
0x9d: {  	_ =	strace $0x8FFFFFFF  }
0x9e: {  	s18 =	sld [smem:$0x3FDB];
	_ =	sdelay $0x1  }
0x9f: {  	s19 =	simm.s32 $_scs_section_size  }
0xa0: {  	s5 =	simm.s32 $_size__tile_overlayer_lowered;
	s6 =	simm.s32 $_tile_overlayer_lowered  }
0xa1: {  	s22 =	simm.s32 $0x1BFF;
	s21 =	sshll.u32 s6, $0x1;
	s3 =	sadd.s32 s19, s18  }
0xa2: {  	s7 =	simm.s32 $0x0;
	s20 =	sshll.u32 s5, $0x1;
	s5 =	sadd.s32 s21, s3  }
0xa3: {  	[timem:s7], [sflag:s22] =	dma.local [hbm:s5], s20  }
0xa4: {  	_ =	swait.ge [sflag:s22], s20  }
0xa5: {  	s4 =	ssub.s32 $0x0, s20;
	[sflag:s22] =	ssyncset.done $0x0  }
0xa6: {  	[sflag:s22] =	ssyncadd.s32 s4;
	_ =	sdelay $0x1  }
0xa7: {  	s23 =	simm.s32 $0x1B8B  }
0xa8: {  	_ =	swait.ge [sflag:s23], $0x1  }
0xa9: {  	[sflag:s23] =	ssyncset.done $0x0  }
0xaa: {  	s25 =	simm.s32 $0x1B8E;
	s24 =	sld [smem:$0x3FFE];
	[sflag:s23] =	ssyncadd.s32 $0xFFFFFFFF  }
0xab: {  	s26 =	simm.s32 $execute0_lowered;
	[smem:$0x3FD2] =	sst s25  }
0xac: {  	s5 =	sshll.u32 s26, $0x1;
	_ =	strace $0x80000046;
	[dreg:$0x1] =	wrdreg $0xFFFFFFFF  }
0xad: {  	s28 =	simm.s32 $_size_execute0_lowered;
	s3 =	sadd.s32 s3, s5;
	[dreg:$0x0] =	wrdreg $0x0  }
0xae: {  	s5 =	sshll.u32 s28, $0x1;
	[dreg:$0x2] =	wrdreg s3  }
0xaf: {  	[dreg:$0x3] =	wrdreg s5  }
0xb0: {  	[dreg:$0x4] =	wrdreg $0xC0  }
0xb1: {  	_ =	task [dreg:s7], $0x5FFFF  }
0xb2: {  	[dreg:$0x1] =	wrdreg $0xFFFFFFFF  }
0xb3: {  	[dreg:$0x0] =	wrdreg $0x60  }
0xb4: {  	[dreg:$0x2] =	wrdreg s16  }
0xb5: {  	[dreg:$0x3] =	wrdreg s24  }
0xb6: {  	[dreg:$0x4] =	wrdreg $0x9  }
0xb7: {  	_ =	task.clear_ibuf [dreg:s7], $0x5FFFF;
	_ =	strace $0x90000046  }
0xb8: {  	s29 =	simm.s32 $0x9;
	_ =	strace $0x80000048  }
0xb9: {  	_ =	swait.ge [sflag:s29], $0x1  }
0xba: {  	[sflag:s29] =	ssyncadd.s32 $0xFFFFFFFF  }
0xbb: {  	_ =	strace $0x90000048  }
0xbc: {  	_ =	sfence  }
0xbd: {  	s30 =	sld [smem:$0x0];
	_ =	sdelay $0x2  }
0xbe: {  	s31 =	sshll.u32 s1, $0xD;
	s1 =	sshrl.u32 s1, $0x2  }
0xbf: {  	s3 =	sand.u32 $0x4000, s31;
	s1 =	sadd.s32 s1, s30  }
0xc0: {  	s0 =	sor.u32 s3, s0;
	s1 =	sshll.u32 s1, $0x11  }
0xc1: {  	s0 =	sor.u32 s1, s0  }
0xc2: {  	s0 =	sadd.s32 $0x8F2B, s0  }
0xc3: {  	[sflag:s0] =	ssyncadd.remote.s32 $0x1  }
0xc4: {  	_ =	sfence.sel $0xFFFF  }
0xc5: {  	[dreg:$0x0] =	wrdreg $0xFFFFFFFF;
	(pc) =	sbr.abs _section_cstart, $3  }
0xc6: {  	[dreg:$0x1] =	wrdreg $0xFFFFFFFF  }
0xc7: {  	_ =	task.clear_ibuf [dreg:s7], $0x2FFFF;
	_ =	strace $0x9FFFFFFF  }
0xc8: {  	(tm) =	ssettm $0x7FFFFFFF  }
0xc9: {  	_ =	shalt  }
tec
execute0_lowered:
.L_overlay_start_1:
0x0: {  	(tag) =	ssettag $0x1  }
0x1: {  	s1 =	srdreg.scid;
	s0 =	stileid.u32  }
0x2: {  	s2 =	rddreg [dreg:$0x0];
	s19 =	sand.u32 $0x1, s1;
	s30 =	sshll.u32 s0, $0x1  }
0x3: {  	s14 =	rddreg [dreg:$0x1];
	s15 =	sor.u32 s19, s30  }
0x4: {  	s3 =	simm.s32 $0x0;
	s1 =	rddreg [dreg:$0x2];
	s4 =	sshll.u32 s15, $0x7  }
0x5: {  	[smem:$0x7FF] =	sst s3;
	s4 =	sadd.s32 s4, s14  }
0x6: {  	_ =	strace $0x80000047;
	s5 =	sadd.s32 $0xC00, s4;
	s4 =	simm.s32 $0x2  }
0x7: {  	[tilespmem:s3], [sflag:$0x2] =	stream.linear.gather [hbm4b:s5+s3], $0x400, $0x38;
	[tilespmem:$0x10400] =	vst v63  }
0x8: {  	_ =	swait.ge [sflag:s4], $0x400  }
0x9: {  	[sflag:s4] =	ssyncset.done $0x0  }
0xa: {  	s6 =	simm.s32 $0x80;
	s7 =	simm.s32 $0x400;
	[sflag:s4] =	ssyncadd.s32 $0xFFFFFC00  }
0xb: {  	[tilespmem:s7], [sflag:$0x1] =	stream.indirect.gather [hbm4b:s2+s6], $0x80, s3, s6, $0xb8;
	[tilespmem:$0x10400] =	vst v63  }
0xc: {  	s8 =	simm.s32 $0x4400  }
0xd: {  	[tilespmem:s8], [sflag:$0x1] =	stream.indirect.gather [hbm4b:s2+s6], $0x80, s6, s6, $0xb8;
	[tilespmem:$0x10400] =	vst v63  }
0xe: {  	s9 =	simm.s32 $0x100;
	s10 =	simm.s32 $0x8400  }
0xf: {  	[tilespmem:s10], [sflag:$0x1] =	stream.indirect.gather [hbm4b:s2+s6], $0x80, s9, s6, $0xb8;
	[tilespmem:$0x10400] =	vst v63  }
0x10: {  	s11 =	simm.s32 $0x180;
	s12 =	simm.s32 $0xC400;
	s13 =	simm.s32 $0x1  }
0x11: {  	[tilespmem:s12], [sflag:$0x1] =	stream.indirect.gather [hbm4b:s2+s6], $0x80, s11, s6, $0xb8;
	[tilespmem:$0x10400] =	vst v63  }
0x12: {  	_ =	swait.ge [sflag:s13], $0x4000  }
0x13: {  	[sflag:s13] =	ssyncset.done $0x0  }
0x14: {  	[sflag:s13] =	ssyncadd.s32 $0xFFFFC000  }
0x15: {  	_ =	swait.ge [sflag:s13], $0x4000  }
0x16: {  	[sflag:s13] =	ssyncset.done $0x0  }
0x17: {  	[sflag:s13] =	ssyncadd.s32 $0xFFFFC000  }
0x18: {  	_ =	swait.ge [sflag:s13], $0x4000  }
0x19: {  	[sflag:s13] =	ssyncset.done $0x0  }
0x1a: {  	[sflag:s13] =	ssyncadd.s32 $0xFFFFC000  }
0x1b: {  	s15 =	sshll.u32 s15, $0xE;
	_ =	swait.ge [sflag:s13], $0x4000  }
0x1c: {  	s20 =	sadd.s32 s15, s14;
	[sflag:s13] =	ssyncset.done $0x0  }
0x1d: {  	s14 =	sadd.s32 $0x1C00, s20;
	[sflag:s13] =	ssyncadd.s32 $0xFFFFC000  }
0x1e: {  	[hbm4b:s14+s3] =	stream.linear.scatter [tilespmem:s7], [sflag:$0x2], $0x10000, $0x38;
	[tilespmem:$0x10400] =	vst v63  }
0x1f: {  	_ =	swait.ge [sflag:s4], $0x10000  }
0x20: {  	[sflag:s4] =	ssyncset.done $0x0  }
0x21: {  	s15 =	simm.s32 $0x200;
	[sflag:s4] =	ssyncadd.s32 $0xFFFF0000  }
0x22: {  	[tilespmem:s7], [sflag:$0x1] =	stream.indirect.gather [hbm4b:s2+s6], $0x80, s15, s6, $0xb8;
	[tilespmem:$0x10400] =	vst v63  }
0x23: {  	s16 =	simm.s32 $0x280  }
0x24: {  	[tilespmem:s8], [sflag:$0x1] =	stream.indirect.gather [hbm4b:s2+s6], $0x80, s16, s6, $0xb8;
	[tilespmem:$0x10400] =	vst v63  }
0x25: {  	s17 =	simm.s32 $0x300  }
0x26: {  	[tilespmem:s10], [sflag:$0x1] =	stream.indirect.gather [hbm4b:s2+s6], $0x80, s17, s6, $0xb8;
	[tilespmem:$0x10400] =	vst v63  }
0x27: {  	s18 =	simm.s32 $0x380  }
0x28: {  	[tilespmem:s12], [sflag:$0x1] =	stream.indirect.gather [hbm4b:s2+s6], $0x80, s18, s6, $0xb8;
	[tilespmem:$0x10400] =	vst v63  }
0x29: {  	_ =	swait.ge [sflag:s13], $0x4000  }
0x2a: {  	[sflag:s13] =	ssyncset.done $0x0  }
0x2b: {  	[sflag:s13] =	ssyncadd.s32 $0xFFFFC000  }
0x2c: {  	_ =	swait.ge [sflag:s13], $0x4000  }
0x2d: {  	[sflag:s13] =	ssyncset.done $0x0  }
0x2e: {  	s19 =	ssub.s32 $0x2, s19;
	[sflag:s13] =	ssyncadd.s32 $0xFFFFC000  }
0x2f: {  	s21 =	sshrl.u32 s19, $0x1;
	_ =	swait.ge [sflag:s13], $0x4000  }
0x30: {  	s21 =	ssub.s32 s19, s21;
	[sflag:s13] =	ssyncset.done $0x0  }
0x31: {  	s31 =	smax.u32 s21, $0x1;
	[sflag:s13] =	ssyncadd.s32 $0xFFFFC000  }
0x32: {  	p0 =	sne.s32 s31, $0x1;
	_ =	swait.ge [sflag:s13], $0x4000  }
.Ltmp0:
0x33: {  	[sflag:s13] =	ssyncset.done $0x0;
	(pc) =	sbr.rel @!p0 .LBB2_2-.Ltmp0, $4  }
0x34: {  	s19 =	sadd.s32 $0x3C00, s20;
	[sflag:s13] =	ssyncadd.s32 $0xFFFFC000  }
0x35: {  	[hbm4b:s19+s3] =	stream.linear.scatter [tilespmem:s7], [sflag:$0x2], $0x10000, $0x38;
	[tilespmem:$0x10400] =	vst v63  }
0x36: {  	_ =	swait.ge [sflag:s4], $0x10000  }
0x37: {  	s20 =	sadd.s32 $0xFFFFFFFF, s31;
	[sflag:s4] =	ssyncset.done $0x0  }
.LBB2_1:
0x38: {  	p0 =	sne.s32 s20, $0x1;
	s20 =	sadd.s32 $0xFFFFFFFF, s20;
	[sflag:s4] =	ssyncadd.s32 $0xFFFF0000  }
0x39: {  	[tilespmem:s3], [sflag:$0x2] =	stream.linear.gather [hbm4b:s5+s3], $0x400, $0x38;
	[tilespmem:$0x10400] =	vst v63  }
0x3a: {  	_ =	swait.ge [sflag:s4], $0x400  }
0x3b: {  	[sflag:s4] =	ssyncset.done $0x0  }
0x3c: {  	[sflag:s4] =	ssyncadd.s32 $0xFFFFFC00  }
0x3d: {  	[tilespmem:s7], [sflag:$0x1] =	stream.indirect.gather [hbm4b:s2+s6], $0x80, s3, s6, $0xb8;
	[tilespmem:$0x10400] =	vst v63  }
0x3e: {  	_ = 	snop  }
0x3f: {  	[tilespmem:s8], [sflag:$0x1] =	stream.indirect.gather [hbm4b:s2+s6], $0x80, s6, s6, $0xb8;
	[tilespmem:$0x10400] =	vst v63  }
0x40: {  	_ = 	snop  }
0x41: {  	[tilespmem:s10], [sflag:$0x1] =	stream.indirect.gather [hbm4b:s2+s6], $0x80, s9, s6, $0xb8;
	[tilespmem:$0x10400] =	vst v63  }
0x42: {  	_ = 	snop  }
0x43: {  	[tilespmem:s12], [sflag:$0x1] =	stream.indirect.gather [hbm4b:s2+s6], $0x80, s11, s6, $0xb8;
	[tilespmem:$0x10400] =	vst v63  }
0x44: {  	_ =	swait.ge [sflag:s13], $0x4000  }
0x45: {  	[sflag:s13] =	ssyncset.done $0x0  }
0x46: {  	[sflag:s13] =	ssyncadd.s32 $0xFFFFC000  }
0x47: {  	_ =	swait.ge [sflag:s13], $0x4000  }
0x48: {  	[sflag:s13] =	ssyncset.done $0x0  }
0x49: {  	[sflag:s13] =	ssyncadd.s32 $0xFFFFC000  }
0x4a: {  	_ =	swait.ge [sflag:s13], $0x4000  }
0x4b: {  	[sflag:s13] =	ssyncset.done $0x0  }
0x4c: {  	[sflag:s13] =	ssyncadd.s32 $0xFFFFC000  }
0x4d: {  	_ =	swait.ge [sflag:s13], $0x4000  }
0x4e: {  	[sflag:s13] =	ssyncset.done $0x0  }
0x4f: {  	[sflag:s13] =	ssyncadd.s32 $0xFFFFC000  }
0x50: {  	[hbm4b:s14+s3] =	stream.linear.scatter [tilespmem:s7], [sflag:$0x2], $0x10000, $0x38;
	[tilespmem:$0x10400] =	vst v63  }
0x51: {  	_ =	swait.ge [sflag:s4], $0x10000  }
0x52: {  	[sflag:s4] =	ssyncset.done $0x0  }
0x53: {  	[sflag:s4] =	ssyncadd.s32 $0xFFFF0000  }
0x54: {  	[tilespmem:s7], [sflag:$0x1] =	stream.indirect.gather [hbm4b:s2+s6], $0x80, s15, s6, $0xb8;
	[tilespmem:$0x10400] =	vst v63  }
0x55: {  	_ = 	snop  }
0x56: {  	[tilespmem:s8], [sflag:$0x1] =	stream.indirect.gather [hbm4b:s2+s6], $0x80, s16, s6, $0xb8;
	[tilespmem:$0x10400] =	vst v63  }
0x57: {  	_ = 	snop  }
0x58: {  	[tilespmem:s10], [sflag:$0x1] =	stream.indirect.gather [hbm4b:s2+s6], $0x80, s17, s6, $0xb8;
	[tilespmem:$0x10400] =	vst v63  }
0x59: {  	_ = 	snop  }
0x5a: {  	[tilespmem:s12], [sflag:$0x1] =	stream.indirect.gather [hbm4b:s2+s6], $0x80, s18, s6, $0xb8;
	[tilespmem:$0x10400] =	vst v63  }
0x5b: {  	_ =	swait.ge [sflag:s13], $0x4000  }
0x5c: {  	[sflag:s13] =	ssyncset.done $0x0  }
0x5d: {  	[sflag:s13] =	ssyncadd.s32 $0xFFFFC000  }
0x5e: {  	_ =	swait.ge [sflag:s13], $0x4000  }
0x5f: {  	[sflag:s13] =	ssyncset.done $0x0  }
0x60: {  	[sflag:s13] =	ssyncadd.s32 $0xFFFFC000  }
0x61: {  	_ =	swait.ge [sflag:s13], $0x4000  }
0x62: {  	[sflag:s13] =	ssyncset.done $0x0  }
0x63: {  	[sflag:s13] =	ssyncadd.s32 $0xFFFFC000  }
0x64: {  	_ =	swait.ge [sflag:s13], $0x4000  }
.Ltmp1:
0x65: {  	[sflag:s13] =	ssyncset.done $0x0;
	(pc) =	sbr.rel @p0 .LBB2_1-.Ltmp1, $4  }
0x66: {  	[sflag:s13] =	ssyncadd.s32 $0xFFFFC000  }
0x67: {  	[hbm4b:s19+s3] =	stream.linear.scatter [tilespmem:s7], [sflag:$0x2], $0x10000, $0x38;
	[tilespmem:$0x10400] =	vst v63  }
0x68: {  	_ =	swait.ge [sflag:s4], $0x10000  }
0x69: {  	[sflag:s4] =	ssyncset.done $0x0  }
.LBB2_2:
0x6a: {  	[sflag:s4] =	ssyncadd.s32 $0xFFFF0000  }
0x6b: {  	_ =	sfence.sel $0x180000  }
0x6c: {  	[bflag:$0x0] =	sbarrier.arrive $0xFFFF  }
0x6d: {  	p0 =	sne.s32 s0, $0x0;
	_ =	strace $0x90000047  }
0x6e: {  	s0 =	sadd.s32 @!p0 $0x100000, s1;
	[bflag:$0x2] =	sbarrier.arrive $0xFFFF  }
0x6f: {  	[sflag:s0] =	ssyncadd.tile.s32 @!p0 $0x1;
	_ =	shalt  }
.Lfunc_end2:
_tile_overlayer_lowered:
.L_overlay_start_2:
0x70: {  	(tag) =	ssettag $0x2  }
0x71: {  	s0 =	rddreg [dreg:$0x0];
	s2 =	stileid.u32  }
0x72: {  	s1 =	rddreg [dreg:$0x1];
	p0 =	sne.s32 s2, $0x0  }
0x73: {  	s3 =	rddreg [dreg:$0x2];
	[bflag:$0x3] =	sbarrier.arrive $0xFFFF;
	s2 =	simm.s32 @!p0 $0x1C02  }
0x74: {  	[timem:s3], [sflag:s2] =	dma.local @!p0 [hbm:s0], s1  }
0x75: {  	s0 =	simm.s32 @!p0 $0x2  }
0x76: {  	_ =	swait.ge @!p0 [sflag:s0], s1  }
0x77: {  	s1 =	ssub.s32 @!p0 $0x0, s1;
	[sflag:s0] =	ssyncset.done @!p0 $0x0  }
0x78: {  	[sflag:s0] =	ssyncadd.s32 @!p0 s1  }
0x79: {  	[bflag:$0x3] =	sbarrier.arrive $0xFFFF  }
0x7a: {  	_ =	shalt  }

</sc_bundles>
